<compile_context>
chip_gen: v7x
topology: tpu7x:2x2x1
jax: 0.10.2.dev20260603
libtpu: 0.0.44.dev20260713+nightly
codegen_flags: <defaults>
</compile_context>

<pallas_src>
import functools

import jax
import jax.numpy as jnp
from jax import lax
from jax.experimental import pallas as pl
from jax.experimental.pallas import tpu as pltpu
from jax.experimental.pallas import tpu_sc as plsc

N_NODES = 10000
N_PAD = 10240
N_EDGES = 320000
D = 128
N_GRAPHS = 128

NC = 2
NS = 16
NW = NC * NS
CH = 79
EPW = CH * 128
E_PAD = NW * EPW
RPT = N_PAD // NS

RB = 1000
GRID = N_NODES // RB

_mesh = plsc.VectorSubcoreMesh(core_axis_name="c", subcore_axis_name="s")



@functools.partial(
    pl.kernel,
    out_type=jax.ShapeDtypeStruct((NC, N_PAD), jnp.float32),
    mesh=_mesh,
    scratch_types=[
        pltpu.VMEM((CH, 128), jnp.int32),
        pltpu.VMEM((128,), jnp.float32),
        pltpu.VMEM((RPT,), jnp.float32),
        pltpu.VMEM_SHARED((N_PAD,), jnp.float32),
    ],
)
def _sc_count(col_hbm, out_hbm, col_v, ones_v, zbuf, acc):
    c = lax.axis_index("c")
    s = lax.axis_index("s")
    w = c * NS + s
    for l in range(8):
        ones_v[pl.ds(l * 16, 16)] = jnp.ones((16,), jnp.float32)

    def _zb(i, carry):
        zbuf[pl.ds(i * 16, 16)] = jnp.zeros((16,), jnp.float32)
        return carry

    lax.fori_loop(0, RPT // 16, _zb, 0)
    pltpu.sync_copy(zbuf, acc.at[pl.ds(s * RPT, RPT)])
    plsc.subcore_barrier()
    pltpu.sync_copy(col_hbm.at[w], col_v)

    def _body(j, carry):
        pltpu.sync_copy(ones_v, acc.at[col_v.at[j]], add=True)
        return carry

    lax.fori_loop(0, CH, _body, 0)
    plsc.subcore_barrier()
    pltpu.sync_copy(acc.at[pl.ds(s * RPT, RPT)],
                    out_hbm.at[c, pl.ds(s * RPT, RPT)])



@functools.partial(
    pl.kernel,
    out_type=jax.ShapeDtypeStruct((NC, N_PAD, D), jnp.float32),
    mesh=_mesh,
    scratch_types=[
        pltpu.VMEM((CH, 128), jnp.int32),
        pltpu.VMEM((CH, 128), jnp.int32),
        pltpu.VMEM((128, D), jnp.float32),
        pltpu.VMEM_SHARED((N_PAD, D), jnp.float32),
        pltpu.SemaphoreType.DMA,
    ],
)
def _sc_agg(y_hbm, row_hbm, col_hbm, out_hbm, row_v, col_v, gbuf, acc, sem):
    c = lax.axis_index("c")
    s = lax.axis_index("s")
    w = c * NS + s

    def _zr(i, carry):
        for l in range(8):
            gbuf[i, pl.ds(l * 16, 16)] = jnp.zeros((16,), jnp.float32)
        return carry

    lax.fori_loop(0, 128, _zr, 0)
    for k in range(RPT // 128):
        pltpu.sync_copy(gbuf, acc.at[pl.ds(s * RPT + k * 128, 128)])
    plsc.subcore_barrier()
    pltpu.sync_copy(row_hbm.at[w], row_v)
    pltpu.sync_copy(col_hbm.at[w], col_v)

    def _body(j, carry):
        pltpu.async_copy(y_hbm.at[row_v.at[j]], gbuf, sem).wait()
        pltpu.sync_copy(gbuf, acc.at[col_v.at[j]], add=True)
        return carry

    lax.fori_loop(0, CH, _body, 0)
    plsc.subcore_barrier()
    pltpu.sync_copy(acc.at[pl.ds(s * RPT, RPT)],
                    out_hbm.at[c, pl.ds(s * RPT, RPT)])



def _tc1_body(x_ref, c0_ref, c1_ref, w1_ref, y_ref, dis_ref):
    deg = c0_ref[...] + c1_ref[...] + 1.0
    dis = lax.rsqrt(deg)
    xw = jnp.dot(x_ref[...], w1_ref[...], preferred_element_type=jnp.float32)
    y_ref[...] = xw * dis
    dis_ref[...] = dis


def _tc2_body(p0_ref, p1_ref, y1_ref, dis_ref, b1_ref, w2_ref, y2_ref):
    dis = dis_ref[...]
    h1 = jnp.maximum(dis * (p0_ref[...] + p1_ref[...] + y1_ref[...]) + b1_ref[...], 0.0)
    y2_ref[...] = jnp.dot(h1, w2_ref[...], preferred_element_type=jnp.float32) * dis


def _tc3_body(q0_ref, q1_ref, y2_ref, dis_ref, b2_ref, batch_ref, h_ref, hs_ref):
    i = pl.program_id(0)
    h = dis_ref[...] * (q0_ref[...] + q1_ref[...] + y2_ref[...]) + b2_ref[...]
    h_ref[...] = h
    gids = lax.broadcasted_iota(jnp.int32, (RB, N_GRAPHS), 1)
    oh = (batch_ref[...] == gids).astype(jnp.float32)
    contrib = lax.dot_general(oh, h, (((0,), (0,)), ((), ())),
                              preferred_element_type=jnp.float32)

    @pl.when(i == 0)
    def _():
        hs_ref[...] = contrib

    @pl.when(i != 0)
    def _():
        hs_ref[...] += contrib


_row_spec = pl.BlockSpec((RB, D), lambda i: (i, 0))
_col1_spec = pl.BlockSpec((RB, 1), lambda i: (i, 0))
_w_spec = pl.BlockSpec((D, D), lambda i: (0, 0))
_b_spec = pl.BlockSpec((1, D), lambda i: (0, 0))

_tc1 = pl.pallas_call(
    _tc1_body,
    grid=(GRID,),
    in_specs=[_row_spec, _col1_spec, _col1_spec, _w_spec],
    out_specs=[_row_spec, _col1_spec],
    out_shape=[jax.ShapeDtypeStruct((N_NODES, D), jnp.float32),
               jax.ShapeDtypeStruct((N_NODES, 1), jnp.float32)],
)

_tc2 = pl.pallas_call(
    _tc2_body,
    grid=(GRID,),
    in_specs=[_row_spec, _row_spec, _row_spec, _col1_spec, _b_spec, _w_spec],
    out_specs=_row_spec,
    out_shape=jax.ShapeDtypeStruct((N_NODES, D), jnp.float32),
)

_tc3 = pl.pallas_call(
    _tc3_body,
    grid=(GRID,),
    in_specs=[_row_spec, _row_spec, _row_spec, _col1_spec, _b_spec, _col1_spec],
    out_specs=[_row_spec, pl.BlockSpec((N_GRAPHS, D), lambda i: (0, 0))],
    out_shape=[jax.ShapeDtypeStruct((N_NODES, D), jnp.float32),
               jax.ShapeDtypeStruct((N_GRAPHS, D), jnp.float32)],
)


def kernel(x, edge_index, batch, W1, b1, W2, b2):
    row = edge_index[0].astype(jnp.int32)
    col = edge_index[1].astype(jnp.int32)
    pad = E_PAD - N_EDGES
    row_p = jnp.concatenate([row, jnp.zeros((pad,), jnp.int32)]).reshape(NW, CH, 128)
    col_p = jnp.concatenate([col, jnp.full((pad,), N_NODES + 16, jnp.int32)]).reshape(NW, CH, 128)

    counts = _sc_count(col_p)
    c0 = counts[0, :N_NODES].reshape(N_NODES, 1)
    c1 = counts[1, :N_NODES].reshape(N_NODES, 1)

    y1, dis = _tc1(x, c0, c1, W1)
    p = _sc_agg(y1, row_p, col_p)
    y2 = _tc2(p[0, :N_NODES], p[1, :N_NODES], y1, dis, b1.reshape(1, D), W2)
    q = _sc_agg(y2, row_p, col_p)
    h, hs = _tc3(q[0, :N_NODES], q[1, :N_NODES], y2, dis, b2.reshape(1, D),
                 batch.astype(jnp.int32).reshape(N_NODES, 1))
    return (hs, h)

# --- scband reference (transcript-rebuilt; emitter-appended) ---
"""Pipeline reference for scband-tdrumor-gcn-29111288332558 (READ-ONLY COPY).

The authoritative reference and input builder live on the scoring server;
editing this copy changes nothing except your own understanding.
"""

import jax, jax.numpy as jnp
import numpy as np

N_NODES = 10000
N_EDGES = 320000
D_IN = 128
D_HID = 128
D_OUT = 128
N_GRAPHS = 128


def _gcn_conv(x, row, col, W, b, n_nodes):
    # PyG GCNConv: add self-loops, symmetric degree normalization, sum aggregation
    loop = jnp.arange(n_nodes, dtype=row.dtype)
    row_f = jnp.concatenate([row, loop])
    col_f = jnp.concatenate([col, loop])
    deg = jnp.zeros((n_nodes,), dtype=x.dtype).at[col_f].add(1.0)
    deg_inv_sqrt = jnp.where(deg > 0, deg ** -0.5, 0.0)
    norm = deg_inv_sqrt[row_f] * deg_inv_sqrt[col_f]
    xw = x @ W
    msgs = xw[row_f] * norm[:, None]
    out = jnp.zeros((n_nodes, W.shape[1]), dtype=x.dtype).at[col_f].add(msgs)
    return out + b


def setup_inputs(seed: int = 0) -> dict:
    key = jax.random.key(seed)
    k_x, k_e, k_b, k_w1, k_b1, k_w2, k_b2 = jax.random.split(key, 7)
    x = jax.random.normal(k_x, (N_NODES, D_IN), dtype=jnp.float32)
    edge_index = jax.random.randint(k_e, (2, N_EDGES), 0, N_NODES, dtype=jnp.int64)
    batch = jnp.sort(jax.random.randint(k_b, (N_NODES,), 0, N_GRAPHS, dtype=jnp.int64))
    s1 = 1.0 / np.sqrt(D_IN)
    s2 = 1.0 / np.sqrt(D_HID)
    W1 = jax.random.uniform(k_w1, (D_IN, D_HID), minval=-s1, maxval=s1, dtype=jnp.float32)
    b1 = jax.random.uniform(k_b1, (D_HID,), minval=-s1, maxval=s1, dtype=jnp.float32)
    W2 = jax.random.uniform(k_w2, (D_HID, D_OUT), minval=-s2, maxval=s2, dtype=jnp.float32)
    b2 = jax.random.uniform(k_b2, (D_OUT,), minval=-s2, maxval=s2, dtype=jnp.float32)
    return {"x": x, "edge_index": edge_index, "batch": batch,
            "W1": W1, "b1": b1, "W2": W2, "b2": b2}


def reference(x, edge_index, batch, W1, b1, W2, b2):
    row, col = edge_index[0], edge_index[1]
    h = _gcn_conv(x, row, col, W1, b1, N_NODES)
    h = jax.nn.relu(h)
    # F.dropout with training=False (eval) is identity
    h = _gcn_conv(h, row, col, W2, b2, N_NODES)
    hs = jax.ops.segment_sum(h, batch, num_segments=N_GRAPHS)
    return (hs, h)

if __name__ == "__main__":
    import jax
    _d = setup_inputs()
    print(jax.jit(kernel)(*tuple(_d.values())))

</pallas_src>

<mosaic_0001>
#map = affine_map<(d0, d1) -> (0, 0, 0)>
#map1 = affine_map<(d0, d1) -> (0, 0)>
module attributes {stable_mosaic.version = 14 : i64} {
  func.func @_sc_count(%arg0: i32, %arg1: i32, %arg2: memref<32x79x128xi32, #tpu.memory_space<hbm>>, %arg3: memref<2x10240xf32, #tpu.memory_space<hbm>>, %arg4: memref<79x128xi32, #tpu.memory_space<vmem>>, %arg5: memref<128xf32, #tpu.memory_space<vmem>>, %arg6: memref<640xf32, #tpu.memory_space<vmem>>, %arg7: memref<10240xf32, #tpu.memory_space<vmem_shared>>) attributes {dimension_semantics = [#tpu.dimension_semantics<core_parallel>, #tpu.dimension_semantics<subcore_parallel>], iteration_bounds = array<i64: 2, 16>, scalar_prefetch = 0 : i64, scratch_operands = 4 : i64, tpu.core_type = #tpu.core_type<sc_vector_subcore>, window_params = [{transform_indices = #map}, {transform_indices = #map1}]} {
    %mul3A = arith.constant 16 : i32
    %mul3A_0 = arith.muli %arg0, %mul3A : i32
    %add3A = arith.addi %mul3A_0, %arg1 : i32
    %broadcast_in_dim3A = arith.constant 1.000000e+00 : f32
    %broadcast_in_dim3A_1 = vector.broadcast %broadcast_in_dim3A : f32 to vector<16xf32>
    %swap3A = arith.constant 0 : index
    %swap3A_2 = tpu.vector_load %arg5[%swap3A] {strides = array<i32>} : memref<128xf32, #tpu.memory_space<vmem>>, vector<16xf32>,
    %swap3A_3 = vector.shape_cast %swap3A_2 : vector<16xf32> to vector<16xf32>
    %swap3A_4 = vector.shape_cast %broadcast_in_dim3A_1 : vector<16xf32> to vector<16xf32>
    tpu.vector_store %arg5[%swap3A], %swap3A_4 {strides = array<i32>} : memref<128xf32, #tpu.memory_space<vmem>>, vector<16xf32>,
    %broadcast_in_dim3A_5 = arith.constant 1.000000e+00 : f32
    %broadcast_in_dim3A_6 = vector.broadcast %broadcast_in_dim3A_5 : f32 to vector<16xf32>
    %swap3A_7 = arith.constant 16 : index
    %swap3A_8 = tpu.vector_load %arg5[%swap3A_7] {strides = array<i32>} : memref<128xf32, #tpu.memory_space<vmem>>, vector<16xf32>,
    %swap3A_9 = vector.shape_cast %swap3A_8 : vector<16xf32> to vector<16xf32>
    %swap3A_10 = vector.shape_cast %broadcast_in_dim3A_6 : vector<16xf32> to vector<16xf32>
    tpu.vector_store %arg5[%swap3A_7], %swap3A_10 {strides = array<i32>} : memref<128xf32, #tpu.memory_space<vmem>>, vector<16xf32>,
    %broadcast_in_dim3A_11 = arith.constant 1.000000e+00 : f32
    %broadcast_in_dim3A_12 = vector.broadcast %broadcast_in_dim3A_11 : f32 to vector<16xf32>
    %swap3A_13 = arith.constant 32 : index
    %swap3A_14 = tpu.vector_load %arg5[%swap3A_13] {strides = array<i32>} : memref<128xf32, #tpu.memory_space<vmem>>, vector<16xf32>,
    %swap3A_15 = vector.shape_cast %swap3A_14 : vector<16xf32> to vector<16xf32>
    %swap3A_16 = vector.shape_cast %broadcast_in_dim3A_12 : vector<16xf32> to vector<16xf32>
    tpu.vector_store %arg5[%swap3A_13], %swap3A_16 {strides = array<i32>} : memref<128xf32, #tpu.memory_space<vmem>>, vector<16xf32>,
    %broadcast_in_dim3A_17 = arith.constant 1.000000e+00 : f32
    %broadcast_in_dim3A_18 = vector.broadcast %broadcast_in_dim3A_17 : f32 to vector<16xf32>
    %swap3A_19 = arith.constant 48 : index
    %swap3A_20 = tpu.vector_load %arg5[%swap3A_19] {strides = array<i32>} : memref<128xf32, #tpu.memory_space<vmem>>, vector<16xf32>,
    %swap3A_21 = vector.shape_cast %swap3A_20 : vector<16xf32> to vector<16xf32>
    %swap3A_22 = vector.shape_cast %broadcast_in_dim3A_18 : vector<16xf32> to vector<16xf32>
    tpu.vector_store %arg5[%swap3A_19], %swap3A_22 {strides = array<i32>} : memref<128xf32, #tpu.memory_space<vmem>>, vector<16xf32>,
    %broadcast_in_dim3A_23 = arith.constant 1.000000e+00 : f32
    %broadcast_in_dim3A_24 = vector.broadcast %broadcast_in_dim3A_23 : f32 to vector<16xf32>
    %swap3A_25 = arith.constant 64 : index
    %swap3A_26 = tpu.vector_load %arg5[%swap3A_25] {strides = array<i32>} : memref<128xf32, #tpu.memory_space<vmem>>, vector<16xf32>,
    %swap3A_27 = vector.shape_cast %swap3A_26 : vector<16xf32> to vector<16xf32>
    %swap3A_28 = vector.shape_cast %broadcast_in_dim3A_24 : vector<16xf32> to vector<16xf32>
    tpu.vector_store %arg5[%swap3A_25], %swap3A_28 {strides = array<i32>} : memref<128xf32, #tpu.memory_space<vmem>>, vector<16xf32>,
    %broadcast_in_dim3A_29 = arith.constant 1.000000e+00 : f32
    %broadcast_in_dim3A_30 = vector.broadcast %broadcast_in_dim3A_29 : f32 to vector<16xf32>
    %swap3A_31 = arith.constant 80 : index
    %swap3A_32 = tpu.vector_load %arg5[%swap3A_31] {strides = array<i32>} : memref<128xf32, #tpu.memory_space<vmem>>, vector<16xf32>,
    %swap3A_33 = vector.shape_cast %swap3A_32 : vector<16xf32> to vector<16xf32>
    %swap3A_34 = vector.shape_cast %broadcast_in_dim3A_30 : vector<16xf32> to vector<16xf32>
    tpu.vector_store %arg5[%swap3A_31], %swap3A_34 {strides = array<i32>} : memref<128xf32, #tpu.memory_space<vmem>>, vector<16xf32>,
    %broadcast_in_dim3A_35 = arith.constant 1.000000e+00 : f32
    %broadcast_in_dim3A_36 = vector.broadcast %broadcast_in_dim3A_35 : f32 to vector<16xf32>
    %swap3A_37 = arith.constant 96 : index
    %swap3A_38 = tpu.vector_load %arg5[%swap3A_37] {strides = array<i32>} : memref<128xf32, #tpu.memory_space<vmem>>, vector<16xf32>,
    %swap3A_39 = vector.shape_cast %swap3A_38 : vector<16xf32> to vector<16xf32>
    %swap3A_40 = vector.shape_cast %broadcast_in_dim3A_36 : vector<16xf32> to vector<16xf32>
    tpu.vector_store %arg5[%swap3A_37], %swap3A_40 {strides = array<i32>} : memref<128xf32, #tpu.memory_space<vmem>>, vector<16xf32>,
    %broadcast_in_dim3A_41 = arith.constant 1.000000e+00 : f32
    %broadcast_in_dim3A_42 = vector.broadcast %broadcast_in_dim3A_41 : f32 to vector<16xf32>
    %swap3A_43 = arith.constant 112 : index
    %swap3A_44 = tpu.vector_load %arg5[%swap3A_43] {strides = array<i32>} : memref<128xf32, #tpu.memory_space<vmem>>, vector<16xf32>,
    %swap3A_45 = vector.shape_cast %swap3A_44 : vector<16xf32> to vector<16xf32>
    %swap3A_46 = vector.shape_cast %broadcast_in_dim3A_42 : vector<16xf32> to vector<16xf32>
    tpu.vector_store %arg5[%swap3A_43], %swap3A_46 {strides = array<i32>} : memref<128xf32, #tpu.memory_space<vmem>>, vector<16xf32>,
    %scan3A = arith.constant 0 : i32
    %scan3A_47 = arith.constant 0 : i32
    %scan3A_48 = arith.constant 40 : i32
    %scan3A_49 = arith.addi %scan3A_47, %scan3A_48 : i32
    %scan3A_50 = arith.constant 1 : i32
    scf.for %scan3A_65 = %scan3A_47 to %scan3A_49 step %scan3A_50  : i32 {
      %broadcast_in_dim3A_66 = arith.constant 0.000000e+00 : f32
      %broadcast_in_dim3A_67 = vector.broadcast %broadcast_in_dim3A_66 : f32 to vector<16xf32>
      %mul3A_68 = arith.constant 16 : i32
      %mul3A_69 = arith.muli %scan3A_65, %mul3A_68 : i32
      %swap3A_70 = arith.index_cast %mul3A_69 : i32 to index
      %swap3A_71 = tpu.vector_load %arg6[%swap3A_70] {strides = array<i32>} : memref<640xf32, #tpu.memory_space<vmem>>, vector<16xf32>,
      %swap3A_72 = vector.shape_cast %swap3A_71 : vector<16xf32> to vector<16xf32>
      %swap3A_73 = vector.shape_cast %broadcast_in_dim3A_67 : vector<16xf32> to vector<16xf32>
      tpu.vector_store %arg6[%swap3A_70], %swap3A_73 {strides = array<i32>} : memref<640xf32, #tpu.memory_space<vmem>>, vector<16xf32>,
    }
    %scan3A_51 = arith.constant 40 : i32
    %mul3A_52 = arith.constant 640 : i32
    %mul3A_53 = arith.muli %arg1, %mul3A_52 : i32
    "tpu.region"() ({
      %run_scoped3A = tpu.sem_alloc : memref<!tpu.dma_semaphore, #tpu.memory_space<semaphore_mem>>
      %dma_start3A = tpu.memref_slice %arg7[%mul3A_53] : memref<10240xf32, #tpu.memory_space<vmem_shared>> -> memref<640xf32, #tpu.memory_space<vmem_shared>>
      %dma_start3A_65 = tpu.memref_slice %arg7[%mul3A_53] : memref<10240xf32, #tpu.memory_space<vmem_shared>> -> memref<640xf32, #tpu.memory_space<vmem_shared>>
      tpu.enqueue_dma source(%arg6 : memref<640xf32, #tpu.memory_space<vmem>>) target(%dma_start3A_65 : memref<640xf32, #tpu.memory_space<vmem_shared>>) target_semaphore(%run_scoped3A : memref<!tpu.dma_semaphore, #tpu.memory_space<semaphore_mem>>)
      %dma_wait3A = tpu.memref_slice %arg7[%mul3A_53] : memref<10240xf32, #tpu.memory_space<vmem_shared>> -> memref<640xf32, #tpu.memory_space<vmem_shared>>
      %dma_wait3A_66 = tpu.memref_slice %arg7[%mul3A_53] : memref<10240xf32, #tpu.memory_space<vmem_shared>> -> memref<640xf32, #tpu.memory_space<vmem_shared>>
      tpu.wait_dma2 semaphore(%run_scoped3A : memref<!tpu.dma_semaphore, #tpu.memory_space<semaphore_mem>>) src(%arg6 : memref<640xf32, #tpu.memory_space<vmem>>) dst(%dma_wait3A_66 : memref<640xf32, #tpu.memory_space<vmem_shared>>)
      tpu.yield
    }) : () -> ()
    %barrier3A = arith.constant 0 : index
    tpu.barrier barrier_id(%barrier3A)
    "tpu.region"() ({
      %run_scoped3A = tpu.sem_alloc : memref<!tpu.dma_semaphore, #tpu.memory_space<semaphore_mem>>
      %dma_start3A = arith.constant 0 : i32
      %dma_start3A_65 = arith.constant 0 : i32
      %dma_start3A_66 = tpu.memref_slice %arg2[%add3A, %dma_start3A, %dma_start3A_65] : memref<32x79x128xi32, #tpu.memory_space<hbm>> -> memref<1x79x128xi32, #tpu.memory_space<hbm>>
      %dma_start3A_67 = tpu.memref_squeeze %dma_start3A_66 : memref<1x79x128xi32, #tpu.memory_space<hbm>> -> memref<79x128xi32, #tpu.memory_space<hbm>>
      %dma_start3A_68 = arith.constant 0 : i32
      %dma_start3A_69 = arith.constant 0 : i32
      %dma_start3A_70 = tpu.memref_slice %arg2[%add3A, %dma_start3A_68, %dma_start3A_69] : memref<32x79x128xi32, #tpu.memory_space<hbm>> -> memref<1x79x128xi32, #tpu.memory_space<hbm>>
      %dma_start3A_71 = tpu.memref_squeeze %dma_start3A_70 : memref<1x79x128xi32, #tpu.memory_space<hbm>> -> memref<79x128xi32, #tpu.memory_space<hbm>>
      tpu.enqueue_dma source(%dma_start3A_71 : memref<79x128xi32, #tpu.memory_space<hbm>>) target(%arg4 : memref<79x128xi32, #tpu.memory_space<vmem>>) target_semaphore(%run_scoped3A : memref<!tpu.dma_semaphore, #tpu.memory_space<semaphore_mem>>)
      %dma_wait3A = arith.constant 0 : i32
      %dma_wait3A_72 = arith.constant 0 : i32
      %dma_wait3A_73 = tpu.memref_slice %arg2[%add3A, %dma_wait3A, %dma_wait3A_72] : memref<32x79x128xi32, #tpu.memory_space<hbm>> -> memref<1x79x128xi32, #tpu.memory_space<hbm>>
      %dma_wait3A_74 = tpu.memref_squeeze %dma_wait3A_73 : memref<1x79x128xi32, #tpu.memory_space<hbm>> -> memref<79x128xi32, #tpu.memory_space<hbm>>
      %dma_wait3A_75 = arith.constant 0 : i32
      %dma_wait3A_76 = arith.constant 0 : i32
      %dma_wait3A_77 = tpu.memref_slice %arg2[%add3A, %dma_wait3A_75, %dma_wait3A_76] : memref<32x79x128xi32, #tpu.memory_space<hbm>> -> memref<1x79x128xi32, #tpu.memory_space<hbm>>
      %dma_wait3A_78 = tpu.memref_squeeze %dma_wait3A_77 : memref<1x79x128xi32, #tpu.memory_space<hbm>> -> memref<79x128xi32, #tpu.memory_space<hbm>>
      tpu.wait_dma2 semaphore(%run_scoped3A : memref<!tpu.dma_semaphore, #tpu.memory_space<semaphore_mem>>) src(%dma_wait3A_78 : memref<79x128xi32, #tpu.memory_space<hbm>>) dst(%arg4 : memref<79x128xi32, #tpu.memory_space<vmem>>)
      tpu.yield
    }) : () -> ()
    %scan3A_54 = arith.constant 0 : i32
    %scan3A_55 = arith.constant 0 : i32
    %scan3A_56 = arith.constant 79 : i32
    %scan3A_57 = arith.addi %scan3A_55, %scan3A_56 : i32
    %scan3A_58 = arith.constant 1 : i32
    scf.for %scan3A_65 = %scan3A_55 to %scan3A_57 step %scan3A_58  : i32 {
      "tpu.region"() ({
        %run_scoped3A = tpu.sem_alloc : memref<!tpu.dma_semaphore, #tpu.memory_space<semaphore_mem>>
        %dma_start3A = arith.constant 0 : i32
        %dma_start3A_66 = tpu.memref_slice %arg4[%scan3A_65, %dma_start3A] : memref<79x128xi32, #tpu.memory_space<vmem>> -> memref<1x128xi32, #tpu.memory_space<vmem>>
        %dma_start3A_67 = tpu.memref_squeeze %dma_start3A_66 : memref<1x128xi32, #tpu.memory_space<vmem>> -> memref<128xi32, #tpu.memory_space<vmem>>
        %dma_start3A_68 = arith.constant 0 : i32
        %dma_start3A_69 = tpu.memref_slice %arg7[%dma_start3A_68] : memref<10240xf32, #tpu.memory_space<vmem_shared>> -> memref<10240xf32, #tpu.memory_space<vmem_shared>>
        tpu.enqueue_indirect_dma source(%arg5 : memref<128xf32, #tpu.memory_space<vmem>>) target(%dma_start3A_69 : memref<10240xf32, #tpu.memory_space<vmem_shared>>) offsets(%dma_start3A_67 : memref<128xi32, #tpu.memory_space<vmem>>) semaphore(%run_scoped3A : memref<!tpu.dma_semaphore, #tpu.memory_space<semaphore_mem>>) {add = true}
        %dma_wait3A = arith.constant 0 : i32
        %dma_wait3A_70 = tpu.memref_slice %arg4[%scan3A_65, %dma_wait3A] : memref<79x128xi32, #tpu.memory_space<vmem>> -> memref<1x128xi32, #tpu.memory_space<vmem>>
        %dma_wait3A_71 = tpu.memref_squeeze %dma_wait3A_70 : memref<1x128xi32, #tpu.memory_space<vmem>> -> memref<128xi32, #tpu.memory_space<vmem>>
        %dma_wait3A_72 = arith.constant 0 : i32
        %dma_wait3A_73 = tpu.memref_slice %arg7[%dma_wait3A_72] : memref<10240xf32, #tpu.memory_space<vmem_shared>> -> memref<10240xf32, #tpu.memory_space<vmem_shared>>
        tpu.wait_indirect_dma semaphore(%run_scoped3A : memref<!tpu.dma_semaphore, #tpu.memory_space<semaphore_mem>>) src(%arg5 : memref<128xf32, #tpu.memory_space<vmem>>) dst(%dma_wait3A_73 : memref<10240xf32, #tpu.memory_space<vmem_shared>>)
        tpu.yield
      }) : () -> ()
    }
    %scan3A_59 = arith.constant 79 : i32
    %barrier3A_60 = arith.constant 0 : index
    tpu.barrier barrier_id(%barrier3A_60)
    %mul3A_61 = arith.constant 640 : i32
    %mul3A_62 = arith.muli %arg1, %mul3A_61 : i32
    %mul3A_63 = arith.constant 640 : i32
    %mul3A_64 = arith.muli %arg1, %mul3A_63 : i32
    "tpu.region"() ({
      %run_scoped3A = tpu.sem_alloc : memref<!tpu.dma_semaphore, #tpu.memory_space<semaphore_mem>>
      %dma_start3A = tpu.memref_slice %arg3[%arg0, %mul3A_64] : memref<2x10240xf32, #tpu.memory_space<hbm>> -> memref<1x640xf32, #tpu.memory_space<hbm>>
      %dma_start3A_65 = tpu.memref_squeeze %dma_start3A : memref<1x640xf32, #tpu.memory_space<hbm>> -> memref<640xf32, #tpu.memory_space<hbm>>
      %dma_start3A_66 = tpu.memref_slice %arg7[%mul3A_62] : memref<10240xf32, #tpu.memory_space<vmem_shared>> -> memref<640xf32, #tpu.memory_space<vmem_shared>>
      tpu.enqueue_dma source(%dma_start3A_66 : memref<640xf32, #tpu.memory_space<vmem_shared>>) target(%dma_start3A_65 : memref<640xf32, #tpu.memory_space<hbm>>) target_semaphore(%run_scoped3A : memref<!tpu.dma_semaphore, #tpu.memory_space<semaphore_mem>>)
      %dma_wait3A = tpu.memref_slice %arg3[%arg0, %mul3A_64] : memref<2x10240xf32, #tpu.memory_space<hbm>> -> memref<1x640xf32, #tpu.memory_space<hbm>>
      %dma_wait3A_67 = tpu.memref_squeeze %dma_wait3A : memref<1x640xf32, #tpu.memory_space<hbm>> -> memref<640xf32, #tpu.memory_space<hbm>>
      %dma_wait3A_68 = tpu.memref_slice %arg7[%mul3A_62] : memref<10240xf32, #tpu.memory_space<vmem_shared>> -> memref<640xf32, #tpu.memory_space<vmem_shared>>
      tpu.wait_dma2 semaphore(%run_scoped3A : memref<!tpu.dma_semaphore, #tpu.memory_space<semaphore_mem>>) src(%dma_wait3A_68 : memref<640xf32, #tpu.memory_space<vmem_shared>>) dst(%dma_wait3A_67 : memref<640xf32, #tpu.memory_space<hbm>>)
      tpu.yield
    }) : () -> ()
    return
  }
}

#map = affine_map<(d0, d1) -> (0, 0)>
#map1 = affine_map<(d0, d1) -> (0, 0, 0)>
module attributes {stable_mosaic.version = 14 : i64} {
  func.func @_sc_agg(%arg0: i32, %arg1: i32, %arg2: memref<10000x128xf32, #tpu.memory_space<hbm>>, %arg3: memref<32x79x128xi32, #tpu.memory_space<hbm>>, %arg4: memref<32x79x128xi32, #tpu.memory_space<hbm>>, %arg5: memref<2x10240x128xf32, #tpu.memory_space<hbm>>, %arg6: memref<79x128xi32, #tpu.memory_space<vmem>>, %arg7: memref<79x128xi32, #tpu.memory_space<vmem>>, %arg8: memref<128x128xf32, #tpu.memory_space<vmem>>, %arg9: memref<10240x128xf32, #tpu.memory_space<vmem_shared>>, %arg10: memref<!tpu.dma_semaphore, #tpu.memory_space<semaphore_mem>>) attributes {dimension_semantics = [#tpu.dimension_semantics<core_parallel>, #tpu.dimension_semantics<subcore_parallel>], iteration_bounds = array<i64: 2, 16>, scalar_prefetch = 0 : i64, scratch_operands = 5 : i64, tpu.core_type = #tpu.core_type<sc_vector_subcore>, window_params = [{transform_indices = #map}, {transform_indices = #map1}, {transform_indices = #map1}, {transform_indices = #map1}]} {
    %mul3A = arith.constant 16 : i32
    %mul3A_0 = arith.muli %arg0, %mul3A : i32
    %add3A = arith.addi %mul3A_0, %arg1 : i32
    %scan3A = arith.constant 0 : i32
    %scan3A_1 = arith.constant 0 : i32
    %scan3A_2 = arith.constant 128 : i32
    %scan3A_3 = arith.addi %scan3A_1, %scan3A_2 : i32
    %scan3A_4 = arith.constant 1 : i32
    scf.for %scan3A_37 = %scan3A_1 to %scan3A_3 step %scan3A_4  : i32 {
      %broadcast_in_dim3A = arith.constant 0.000000e+00 : f32
      %broadcast_in_dim3A_38 = vector.broadcast %broadcast_in_dim3A : f32 to vector<16xf32>
      %swap3A = arith.index_cast %scan3A_37 : i32 to index
      %swap3A_39 = arith.constant 0 : index
      %swap3A_40 = tpu.vector_load %arg8[%swap3A, %swap3A_39] {strides = array<i32>} : memref<128x128xf32, #tpu.memory_space<vmem>>, vector<1x16xf32>,
      %swap3A_41 = vector.shape_cast %swap3A_40 : vector<1x16xf32> to vector<16xf32>
      %swap3A_42 = vector.shape_cast %broadcast_in_dim3A_38 : vector<16xf32> to vector<1x16xf32>
      tpu.vector_store %arg8[%swap3A, %swap3A_39], %swap3A_42 {strides = array<i32>} : memref<128x128xf32, #tpu.memory_space<vmem>>, vector<1x16xf32>,
      %broadcast_in_dim3A_43 = arith.constant 0.000000e+00 : f32
      %broadcast_in_dim3A_44 = vector.broadcast %broadcast_in_dim3A_43 : f32 to vector<16xf32>
      %swap3A_45 = arith.index_cast %scan3A_37 : i32 to index
      %swap3A_46 = arith.constant 16 : index
      %swap3A_47 = tpu.vector_load %arg8[%swap3A_45, %swap3A_46] {strides = array<i32>} : memref<128x128xf32, #tpu.memory_space<vmem>>, vector<1x16xf32>,
      %swap3A_48 = vector.shape_cast %swap3A_47 : vector<1x16xf32> to vector<16xf32>
      %swap3A_49 = vector.shape_cast %broadcast_in_dim3A_44 : vector<16xf32> to vector<1x16xf32>
      tpu.vector_store %arg8[%swap3A_45, %swap3A_46], %swap3A_49 {strides = array<i32>} : memref<128x128xf32, #tpu.memory_space<vmem>>, vector<1x16xf32>,
      %broadcast_in_dim3A_50 = arith.constant 0.000000e+00 : f32
      %broadcast_in_dim3A_51 = vector.broadcast %broadcast_in_dim3A_50 : f32 to vector<16xf32>
      %swap3A_52 = arith.index_cast %scan3A_37 : i32 to index
      %swap3A_53 = arith.constant 32 : index
      %swap3A_54 = tpu.vector_load %arg8[%swap3A_52, %swap3A_53] {strides = array<i32>} : memref<128x128xf32, #tpu.memory_space<vmem>>, vector<1x16xf32>,
      %swap3A_55 = vector.shape_cast %swap3A_54 : vector<1x16xf32> to vector<16xf32>
      %swap3A_56 = vector.shape_cast %broadcast_in_dim3A_51 : vector<16xf32> to vector<1x16xf32>
      tpu.vector_store %arg8[%swap3A_52, %swap3A_53], %swap3A_56 {strides = array<i32>} : memref<128x128xf32, #tpu.memory_space<vmem>>, vector<1x16xf32>,
      %broadcast_in_dim3A_57 = arith.constant 0.000000e+00 : f32
      %broadcast_in_dim3A_58 = vector.broadcast %broadcast_in_dim3A_57 : f32 to vector<16xf32>
      %swap3A_59 = arith.index_cast %scan3A_37 : i32 to index
      %swap3A_60 = arith.constant 48 : index
      %swap3A_61 = tpu.vector_load %arg8[%swap3A_59, %swap3A_60] {strides = array<i32>} : memref<128x128xf32, #tpu.memory_space<vmem>>, vector<1x16xf32>,
      %swap3A_62 = vector.shape_cast %swap3A_61 : vector<1x16xf32> to vector<16xf32>
      %swap3A_63 = vector.shape_cast %broadcast_in_dim3A_58 : vector<16xf32> to vector<1x16xf32>
      tpu.vector_store %arg8[%swap3A_59, %swap3A_60], %swap3A_63 {strides = array<i32>} : memref<128x128xf32, #tpu.memory_space<vmem>>, vector<1x16xf32>,
      %broadcast_in_dim3A_64 = arith.constant 0.000000e+00 : f32
      %broadcast_in_dim3A_65 = vector.broadcast %broadcast_in_dim3A_64 : f32 to vector<16xf32>
      %swap3A_66 = arith.index_cast %scan3A_37 : i32 to index
      %swap3A_67 = arith.constant 64 : index
      %swap3A_68 = tpu.vector_load %arg8[%swap3A_66, %swap3A_67] {strides = array<i32>} : memref<128x128xf32, #tpu.memory_space<vmem>>, vector<1x16xf32>,
      %swap3A_69 = vector.shape_cast %swap3A_68 : vector<1x16xf32> to vector<16xf32>
      %swap3A_70 = vector.shape_cast %broadcast_in_dim3A_65 : vector<16xf32> to vector<1x16xf32>
      tpu.vector_store %arg8[%swap3A_66, %swap3A_67], %swap3A_70 {strides = array<i32>} : memref<128x128xf32, #tpu.memory_space<vmem>>, vector<1x16xf32>,
      %broadcast_in_dim3A_71 = arith.constant 0.000000e+00 : f32
      %broadcast_in_dim3A_72 = vector.broadcast %broadcast_in_dim3A_71 : f32 to vector<16xf32>
      %swap3A_73 = arith.index_cast %scan3A_37 : i32 to index
      %swap3A_74 = arith.constant 80 : index
      %swap3A_75 = tpu.vector_load %arg8[%swap3A_73, %swap3A_74] {strides = array<i32>} : memref<128x128xf32, #tpu.memory_space<vmem>>, vector<1x16xf32>,
      %swap3A_76 = vector.shape_cast %swap3A_75 : vector<1x16xf32> to vector<16xf32>
      %swap3A_77 = vector.shape_cast %broadcast_in_dim3A_72 : vector<16xf32> to vector<1x16xf32>
      tpu.vector_store %arg8[%swap3A_73, %swap3A_74], %swap3A_77 {strides = array<i32>} : memref<128x128xf32, #tpu.memory_space<vmem>>, vector<1x16xf32>,
      %broadcast_in_dim3A_78 = arith.constant 0.000000e+00 : f32
      %broadcast_in_dim3A_79 = vector.broadcast %broadcast_in_dim3A_78 : f32 to vector<16xf32>
      %swap3A_80 = arith.index_cast %scan3A_37 : i32 to index
      %swap3A_81 = arith.constant 96 : index
      %swap3A_82 = tpu.vector_load %arg8[%swap3A_80, %swap3A_81] {strides = array<i32>} : memref<128x128xf32, #tpu.memory_space<vmem>>, vector<1x16xf32>,
      %swap3A_83 = vector.shape_cast %swap3A_82 : vector<1x16xf32> to vector<16xf32>
      %swap3A_84 = vector.shape_cast %broadcast_in_dim3A_79 : vector<16xf32> to vector<1x16xf32>
      tpu.vector_store %arg8[%swap3A_80, %swap3A_81], %swap3A_84 {strides = array<i32>} : memref<128x128xf32, #tpu.memory_space<vmem>>, vector<1x16xf32>,
      %broadcast_in_dim3A_85 = arith.constant 0.000000e+00 : f32
      %broadcast_in_dim3A_86 = vector.broadcast %broadcast_in_dim3A_85 : f32 to vector<16xf32>
      %swap3A_87 = arith.index_cast %scan3A_37 : i32 to index
      %swap3A_88 = arith.constant 112 : index
      %swap3A_89 = tpu.vector_load %arg8[%swap3A_87, %swap3A_88] {strides = array<i32>} : memref<128x128xf32, #tpu.memory_space<vmem>>, vector<1x16xf32>,
      %swap3A_90 = vector.shape_cast %swap3A_89 : vector<1x16xf32> to vector<16xf32>
      %swap3A_91 = vector.shape_cast %broadcast_in_dim3A_86 : vector<16xf32> to vector<1x16xf32>
      tpu.vector_store %arg8[%swap3A_87, %swap3A_88], %swap3A_91 {strides = array<i32>} : memref<128x128xf32, #tpu.memory_space<vmem>>, vector<1x16xf32>,
    }
    %scan3A_5 = arith.constant 128 : i32
    %mul3A_6 = arith.constant 640 : i32
    %mul3A_7 = arith.muli %arg1, %mul3A_6 : i32
    %add3A_8 = arith.constant 0 : i32
    %add3A_9 = arith.addi %mul3A_7, %add3A_8 : i32
    "tpu.region"() ({
      %run_scoped3A = tpu.sem_alloc : memref<!tpu.dma_semaphore, #tpu.memory_space<semaphore_mem>>
      %dma_start3A = arith.constant 0 : i32
      %dma_start3A_37 = tpu.memref_slice %arg9[%add3A_9, %dma_start3A] : memref<10240x128xf32, #tpu.memory_space<vmem_shared>> -> memref<128x128xf32, #tpu.memory_space<vmem_shared>>
      %dma_start3A_38 = arith.constant 0 : i32
      %dma_start3A_39 = tpu.memref_slice %arg9[%add3A_9, %dma_start3A_38] : memref<10240x128xf32, #tpu.memory_space<vmem_shared>> -> memref<128x128xf32, #tpu.memory_space<vmem_shared>>
      tpu.enqueue_dma source(%arg8 : memref<128x128xf32, #tpu.memory_space<vmem>>) target(%dma_start3A_39 : memref<128x128xf32, #tpu.memory_space<vmem_shared>>) target_semaphore(%run_scoped3A : memref<!tpu.dma_semaphore, #tpu.memory_space<semaphore_mem>>)
      %dma_wait3A = arith.constant 0 : i32
      %dma_wait3A_40 = tpu.memref_slice %arg9[%add3A_9, %dma_wait3A] : memref<10240x128xf32, #tpu.memory_space<vmem_shared>> -> memref<128x128xf32, #tpu.memory_space<vmem_shared>>
      %dma_wait3A_41 = arith.constant 0 : i32
      %dma_wait3A_42 = tpu.memref_slice %arg9[%add3A_9, %dma_wait3A_41] : memref<10240x128xf32, #tpu.memory_space<vmem_shared>> -> memref<128x128xf32, #tpu.memory_space<vmem_shared>>
      tpu.wait_dma2 semaphore(%run_scoped3A : memref<!tpu.dma_semaphore, #tpu.memory_space<semaphore_mem>>) src(%arg8 : memref<128x128xf32, #tpu.memory_space<vmem>>) dst(%dma_wait3A_42 : memref<128x128xf32, #tpu.memory_space<vmem_shared>>)
      tpu.yield
    }) : () -> ()
    %mul3A_10 = arith.constant 640 : i32
    %mul3A_11 = arith.muli %arg1, %mul3A_10 : i32
    %add3A_12 = arith.constant 128 : i32
    %add3A_13 = arith.addi %mul3A_11, %add3A_12 : i32
    "tpu.region"() ({
      %run_scoped3A = tpu.sem_alloc : memref<!tpu.dma_semaphore, #tpu.memory_space<semaphore_mem>>
      %dma_start3A = arith.constant 0 : i32
      %dma_start3A_37 = tpu.memref_slice %arg9[%add3A_13, %dma_start3A] : memref<10240x128xf32, #tpu.memory_space<vmem_shared>> -> memref<128x128xf32, #tpu.memory_space<vmem_shared>>
      %dma_start3A_38 = arith.constant 0 : i32
      %dma_start3A_39 = tpu.memref_slice %arg9[%add3A_13, %dma_start3A_38] : memref<10240x128xf32, #tpu.memory_space<vmem_shared>> -> memref<128x128xf32, #tpu.memory_space<vmem_shared>>
      tpu.enqueue_dma source(%arg8 : memref<128x128xf32, #tpu.memory_space<vmem>>) target(%dma_start3A_39 : memref<128x128xf32, #tpu.memory_space<vmem_shared>>) target_semaphore(%run_scoped3A : memref<!tpu.dma_semaphore, #tpu.memory_space<semaphore_mem>>)
      %dma_wait3A = arith.constant 0 : i32
      %dma_wait3A_40 = tpu.memref_slice %arg9[%add3A_13, %dma_wait3A] : memref<10240x128xf32, #tpu.memory_space<vmem_shared>> -> memref<128x128xf32, #tpu.memory_space<vmem_shared>>
      %dma_wait3A_41 = arith.constant 0 : i32
      %dma_wait3A_42 = tpu.memref_slice %arg9[%add3A_13, %dma_wait3A_41] : memref<10240x128xf32, #tpu.memory_space<vmem_shared>> -> memref<128x128xf32, #tpu.memory_space<vmem_shared>>
      tpu.wait_dma2 semaphore(%run_scoped3A : memref<!tpu.dma_semaphore, #tpu.memory_space<semaphore_mem>>) src(%arg8 : memref<128x128xf32, #tpu.memory_space<vmem>>) dst(%dma_wait3A_42 : memref<128x128xf32, #tpu.memory_space<vmem_shared>>)
      tpu.yield
    }) : () -> ()
    %mul3A_14 = arith.constant 640 : i32
    %mul3A_15 = arith.muli %arg1, %mul3A_14 : i32
    %add3A_16 = arith.constant 256 : i32
    %add3A_17 = arith.addi %mul3A_15, %add3A_16 : i32
    "tpu.region"() ({
      %run_scoped3A = tpu.sem_alloc : memref<!tpu.dma_semaphore, #tpu.memory_space<semaphore_mem>>
      %dma_start3A = arith.constant 0 : i32
      %dma_start3A_37 = tpu.memref_slice %arg9[%add3A_17, %dma_start3A] : memref<10240x128xf32, #tpu.memory_space<vmem_shared>> -> memref<128x128xf32, #tpu.memory_space<vmem_shared>>
      %dma_start3A_38 = arith.constant 0 : i32
      %dma_start3A_39 = tpu.memref_slice %arg9[%add3A_17, %dma_start3A_38] : memref<10240x128xf32, #tpu.memory_space<vmem_shared>> -> memref<128x128xf32, #tpu.memory_space<vmem_shared>>
      tpu.enqueue_dma source(%arg8 : memref<128x128xf32, #tpu.memory_space<vmem>>) target(%dma_start3A_39 : memref<128x128xf32, #tpu.memory_space<vmem_shared>>) target_semaphore(%run_scoped3A : memref<!tpu.dma_semaphore, #tpu.memory_space<semaphore_mem>>)
      %dma_wait3A = arith.constant 0 : i32
      %dma_wait3A_40 = tpu.memref_slice %arg9[%add3A_17, %dma_wait3A] : memref<10240x128xf32, #tpu.memory_space<vmem_shared>> -> memref<128x128xf32, #tpu.memory_space<vmem_shared>>
      %dma_wait3A_41 = arith.constant 0 : i32
      %dma_wait3A_42 = tpu.memref_slice %arg9[%add3A_17, %dma_wait3A_41] : memref<10240x128xf32, #tpu.memory_space<vmem_shared>> -> memref<128x128xf32, #tpu.memory_space<vmem_shared>>
      tpu.wait_dma2 semaphore(%run_scoped3A : memref<!tpu.dma_semaphore, #tpu.memory_space<semaphore_mem>>) src(%arg8 : memref<128x128xf32, #tpu.memory_space<vmem>>) dst(%dma_wait3A_42 : memref<128x128xf32, #tpu.memory_space<vmem_shared>>)
      tpu.yield
    }) : () -> ()
    %mul3A_18 = arith.constant 640 : i32
    %mul3A_19 = arith.muli %arg1, %mul3A_18 : i32
    %add3A_20 = arith.constant 384 : i32
    %add3A_21 = arith.addi %mul3A_19, %add3A_20 : i32
    "tpu.region"() ({
      %run_scoped3A = tpu.sem_alloc : memref<!tpu.dma_semaphore, #tpu.memory_space<semaphore_mem>>
      %dma_start3A = arith.constant 0 : i32
      %dma_start3A_37 = tpu.memref_slice %arg9[%add3A_21, %dma_start3A] : memref<10240x128xf32, #tpu.memory_space<vmem_shared>> -> memref<128x128xf32, #tpu.memory_space<vmem_shared>>
      %dma_start3A_38 = arith.constant 0 : i32
      %dma_start3A_39 = tpu.memref_slice %arg9[%add3A_21, %dma_start3A_38] : memref<10240x128xf32, #tpu.memory_space<vmem_shared>> -> memref<128x128xf32, #tpu.memory_space<vmem_shared>>
      tpu.enqueue_dma source(%arg8 : memref<128x128xf32, #tpu.memory_space<vmem>>) target(%dma_start3A_39 : memref<128x128xf32, #tpu.memory_space<vmem_shared>>) target_semaphore(%run_scoped3A : memref<!tpu.dma_semaphore, #tpu.memory_space<semaphore_mem>>)
      %dma_wait3A = arith.constant 0 : i32
      %dma_wait3A_40 = tpu.memref_slice %arg9[%add3A_21, %dma_wait3A] : memref<10240x128xf32, #tpu.memory_space<vmem_shared>> -> memref<128x128xf32, #tpu.memory_space<vmem_shared>>
      %dma_wait3A_41 = arith.constant 0 : i32
      %dma_wait3A_42 = tpu.memref_slice %arg9[%add3A_21, %dma_wait3A_41] : memref<10240x128xf32, #tpu.memory_space<vmem_shared>> -> memref<128x128xf32, #tpu.memory_space<vmem_shared>>
      tpu.wait_dma2 semaphore(%run_scoped3A : memref<!tpu.dma_semaphore, #tpu.memory_space<semaphore_mem>>) src(%arg8 : memref<128x128xf32, #tpu.memory_space<vmem>>) dst(%dma_wait3A_42 : memref<128x128xf32, #tpu.memory_space<vmem_shared>>)
      tpu.yield
    }) : () -> ()
    %mul3A_22 = arith.constant 640 : i32
    %mul3A_23 = arith.muli %arg1, %mul3A_22 : i32
    %add3A_24 = arith.constant 512 : i32
    %add3A_25 = arith.addi %mul3A_23, %add3A_24 : i32
    "tpu.region"() ({
      %run_scoped3A = tpu.sem_alloc : memref<!tpu.dma_semaphore, #tpu.memory_space<semaphore_mem>>
      %dma_start3A = arith.constant 0 : i32
      %dma_start3A_37 = tpu.memref_slice %arg9[%add3A_25, %dma_start3A] : memref<10240x128xf32, #tpu.memory_space<vmem_shared>> -> memref<128x128xf32, #tpu.memory_space<vmem_shared>>
      %dma_start3A_38 = arith.constant 0 : i32
      %dma_start3A_39 = tpu.memref_slice %arg9[%add3A_25, %dma_start3A_38] : memref<10240x128xf32, #tpu.memory_space<vmem_shared>> -> memref<128x128xf32, #tpu.memory_space<vmem_shared>>
      tpu.enqueue_dma source(%arg8 : memref<128x128xf32, #tpu.memory_space<vmem>>) target(%dma_start3A_39 : memref<128x128xf32, #tpu.memory_space<vmem_shared>>) target_semaphore(%run_scoped3A : memref<!tpu.dma_semaphore, #tpu.memory_space<semaphore_mem>>)
      %dma_wait3A = arith.constant 0 : i32
      %dma_wait3A_40 = tpu.memref_slice %arg9[%add3A_25, %dma_wait3A] : memref<10240x128xf32, #tpu.memory_space<vmem_shared>> -> memref<128x128xf32, #tpu.memory_space<vmem_shared>>
      %dma_wait3A_41 = arith.constant 0 : i32
      %dma_wait3A_42 = tpu.memref_slice %arg9[%add3A_25, %dma_wait3A_41] : memref<10240x128xf32, #tpu.memory_space<vmem_shared>> -> memref<128x128xf32, #tpu.memory_space<vmem_shared>>
      tpu.wait_dma2 semaphore(%run_scoped3A : memref<!tpu.dma_semaphore, #tpu.memory_space<semaphore_mem>>) src(%arg8 : memref<128x128xf32, #tpu.memory_space<vmem>>) dst(%dma_wait3A_42 : memref<128x128xf32, #tpu.memory_space<vmem_shared>>)
      tpu.yield
    }) : () -> ()
    %barrier3A = arith.constant 0 : index
    tpu.barrier barrier_id(%barrier3A)
    "tpu.region"() ({
      %run_scoped3A = tpu.sem_alloc : memref<!tpu.dma_semaphore, #tpu.memory_space<semaphore_mem>>
      %dma_start3A = arith.constant 0 : i32
      %dma_start3A_37 = arith.constant 0 : i32
      %dma_start3A_38 = tpu.memref_slice %arg3[%add3A, %dma_start3A, %dma_start3A_37] : memref<32x79x128xi32, #tpu.memory_space<hbm>> -> memref<1x79x128xi32, #tpu.memory_space<hbm>>
      %dma_start3A_39 = tpu.memref_squeeze %dma_start3A_38 : memref<1x79x128xi32, #tpu.memory_space<hbm>> -> memref<79x128xi32, #tpu.memory_space<hbm>>
      %dma_start3A_40 = arith.constant 0 : i32
      %dma_start3A_41 = arith.constant 0 : i32
      %dma_start3A_42 = tpu.memref_slice %arg3[%add3A, %dma_start3A_40, %dma_start3A_41] : memref<32x79x128xi32, #tpu.memory_space<hbm>> -> memref<1x79x128xi32, #tpu.memory_space<hbm>>
      %dma_start3A_43 = tpu.memref_squeeze %dma_start3A_42 : memref<1x79x128xi32, #tpu.memory_space<hbm>> -> memref<79x128xi32, #tpu.memory_space<hbm>>
      tpu.enqueue_dma source(%dma_start3A_43 : memref<79x128xi32, #tpu.memory_space<hbm>>) target(%arg6 : memref<79x128xi32, #tpu.memory_space<vmem>>) target_semaphore(%run_scoped3A : memref<!tpu.dma_semaphore, #tpu.memory_space<semaphore_mem>>)
      %dma_wait3A = arith.constant 0 : i32
      %dma_wait3A_44 = arith.constant 0 : i32
      %dma_wait3A_45 = tpu.memref_slice %arg3[%add3A, %dma_wait3A, %dma_wait3A_44] : memref<32x79x128xi32, #tpu.memory_space<hbm>> -> memref<1x79x128xi32, #tpu.memory_space<hbm>>
      %dma_wait3A_46 = tpu.memref_squeeze %dma_wait3A_45 : memref<1x79x128xi32, #tpu.memory_space<hbm>> -> memref<79x128xi32, #tpu.memory_space<hbm>>
      %dma_wait3A_47 = arith.constant 0 : i32
      %dma_wait3A_48 = arith.constant 0 : i32
      %dma_wait3A_49 = tpu.memref_slice %arg3[%add3A, %dma_wait3A_47, %dma_wait3A_48] : memref<32x79x128xi32, #tpu.memory_space<hbm>> -> memref<1x79x128xi32, #tpu.memory_space<hbm>>
      %dma_wait3A_50 = tpu.memref_squeeze %dma_wait3A_49 : memref<1x79x128xi32, #tpu.memory_space<hbm>> -> memref<79x128xi32, #tpu.memory_space<hbm>>
      tpu.wait_dma2 semaphore(%run_scoped3A : memref<!tpu.dma_semaphore, #tpu.memory_space<semaphore_mem>>) src(%dma_wait3A_50 : memref<79x128xi32, #tpu.memory_space<hbm>>) dst(%arg6 : memref<79x128xi32, #tpu.memory_space<vmem>>)
      tpu.yield
    }) : () -> ()
    "tpu.region"() ({
      %run_scoped3A = tpu.sem_alloc : memref<!tpu.dma_semaphore, #tpu.memory_space<semaphore_mem>>
      %dma_start3A = arith.constant 0 : i32
      %dma_start3A_37 = arith.constant 0 : i32
      %dma_start3A_38 = tpu.memref_slice %arg4[%add3A, %dma_start3A, %dma_start3A_37] : memref<32x79x128xi32, #tpu.memory_space<hbm>> -> memref<1x79x128xi32, #tpu.memory_space<hbm>>
      %dma_start3A_39 = tpu.memref_squeeze %dma_start3A_38 : memref<1x79x128xi32, #tpu.memory_space<hbm>> -> memref<79x128xi32, #tpu.memory_space<hbm>>
      %dma_start3A_40 = arith.constant 0 : i32
      %dma_start3A_41 = arith.constant 0 : i32
      %dma_start3A_42 = tpu.memref_slice %arg4[%add3A, %dma_start3A_40, %dma_start3A_41] : memref<32x79x128xi32, #tpu.memory_space<hbm>> -> memref<1x79x128xi32, #tpu.memory_space<hbm>>
      %dma_start3A_43 = tpu.memref_squeeze %dma_start3A_42 : memref<1x79x128xi32, #tpu.memory_space<hbm>> -> memref<79x128xi32, #tpu.memory_space<hbm>>
      tpu.enqueue_dma source(%dma_start3A_43 : memref<79x128xi32, #tpu.memory_space<hbm>>) target(%arg7 : memref<79x128xi32, #tpu.memory_space<vmem>>) target_semaphore(%run_scoped3A : memref<!tpu.dma_semaphore, #tpu.memory_space<semaphore_mem>>)
      %dma_wait3A = arith.constant 0 : i32
      %dma_wait3A_44 = arith.constant 0 : i32
      %dma_wait3A_45 = tpu.memref_slice %arg4[%add3A, %dma_wait3A, %dma_wait3A_44] : memref<32x79x128xi32, #tpu.memory_space<hbm>> -> memref<1x79x128xi32, #tpu.memory_space<hbm>>
      %dma_wait3A_46 = tpu.memref_squeeze %dma_wait3A_45 : memref<1x79x128xi32, #tpu.memory_space<hbm>> -> memref<79x128xi32, #tpu.memory_space<hbm>>
      %dma_wait3A_47 = arith.constant 0 : i32
      %dma_wait3A_48 = arith.constant 0 : i32
      %dma_wait3A_49 = tpu.memref_slice %arg4[%add3A, %dma_wait3A_47, %dma_wait3A_48] : memref<32x79x128xi32, #tpu.memory_space<hbm>> -> memref<1x79x128xi32, #tpu.memory_space<hbm>>
      %dma_wait3A_50 = tpu.memref_squeeze %dma_wait3A_49 : memref<1x79x128xi32, #tpu.memory_space<hbm>> -> memref<79x128xi32, #tpu.memory_space<hbm>>
      tpu.wait_dma2 semaphore(%run_scoped3A : memref<!tpu.dma_semaphore, #tpu.memory_space<semaphore_mem>>) src(%dma_wait3A_50 : memref<79x128xi32, #tpu.memory_space<hbm>>) dst(%arg7 : memref<79x128xi32, #tpu.memory_space<vmem>>)
      tpu.yield
    }) : () -> ()
    %scan3A_26 = arith.constant 0 : i32
    %scan3A_27 = arith.constant 0 : i32
    %scan3A_28 = arith.constant 79 : i32
    %scan3A_29 = arith.addi %scan3A_27, %scan3A_28 : i32
    %scan3A_30 = arith.constant 1 : i32
    scf.for %scan3A_37 = %scan3A_27 to %scan3A_29 step %scan3A_30  : i32 {
      %dma_start3A = arith.constant 0 : i32
      %dma_start3A_38 = tpu.memref_slice %arg6[%scan3A_37, %dma_start3A] : memref<79x128xi32, #tpu.memory_space<vmem>> -> memref<1x128xi32, #tpu.memory_space<vmem>>
      %dma_start3A_39 = tpu.memref_squeeze %dma_start3A_38 : memref<1x128xi32, #tpu.memory_space<vmem>> -> memref<128xi32, #tpu.memory_space<vmem>>
      %dma_start3A_40 = arith.constant 0 : i32
      %dma_start3A_41 = arith.constant 0 : i32
      %dma_start3A_42 = tpu.memref_slice %arg2[%dma_start3A_40, %dma_start3A_41] : memref<10000x128xf32, #tpu.memory_space<hbm>> -> memref<10000x128xf32, #tpu.memory_space<hbm>>
      tpu.enqueue_indirect_dma source(%dma_start3A_42 : memref<10000x128xf32, #tpu.memory_space<hbm>>) target(%arg8 : memref<128x128xf32, #tpu.memory_space<vmem>>) offsets(%dma_start3A_39 : memref<128xi32, #tpu.memory_space<vmem>>) semaphore(%arg10 : memref<!tpu.dma_semaphore, #tpu.memory_space<semaphore_mem>>)
      %dma_wait3A = arith.constant 0 : i32
      %dma_wait3A_43 = tpu.memref_slice %arg6[%scan3A_37, %dma_wait3A] : memref<79x128xi32, #tpu.memory_space<vmem>> -> memref<1x128xi32, #tpu.memory_space<vmem>>
      %dma_wait3A_44 = tpu.memref_squeeze %dma_wait3A_43 : memref<1x128xi32, #tpu.memory_space<vmem>> -> memref<128xi32, #tpu.memory_space<vmem>>
      %dma_wait3A_45 = arith.constant 0 : i32
      %dma_wait3A_46 = arith.constant 0 : i32
      %dma_wait3A_47 = tpu.memref_slice %arg2[%dma_wait3A_45, %dma_wait3A_46] : memref<10000x128xf32, #tpu.memory_space<hbm>> -> memref<10000x128xf32, #tpu.memory_space<hbm>>
      tpu.wait_indirect_dma semaphore(%arg10 : memref<!tpu.dma_semaphore, #tpu.memory_space<semaphore_mem>>) src(%dma_wait3A_47 : memref<10000x128xf32, #tpu.memory_space<hbm>>) dst(%arg8 : memref<128x128xf32, #tpu.memory_space<vmem>>)
      "tpu.region"() ({
        %run_scoped3A = tpu.sem_alloc : memref<!tpu.dma_semaphore, #tpu.memory_space<semaphore_mem>>
        %dma_start3A_48 = arith.constant 0 : i32
        %dma_start3A_49 = tpu.memref_slice %arg7[%scan3A_37, %dma_start3A_48] : memref<79x128xi32, #tpu.memory_space<vmem>> -> memref<1x128xi32, #tpu.memory_space<vmem>>
        %dma_start3A_50 = tpu.memref_squeeze %dma_start3A_49 : memref<1x128xi32, #tpu.memory_space<vmem>> -> memref<128xi32, #tpu.memory_space<vmem>>
        %dma_start3A_51 = arith.constant 0 : i32
        %dma_start3A_52 = arith.constant 0 : i32
        %dma_start3A_53 = tpu.memref_slice %arg9[%dma_start3A_51, %dma_start3A_52] : memref<10240x128xf32, #tpu.memory_space<vmem_shared>> -> memref<10240x128xf32, #tpu.memory_space<vmem_shared>>
        tpu.enqueue_indirect_dma source(%arg8 : memref<128x128xf32, #tpu.memory_space<vmem>>) target(%dma_start3A_53 : memref<10240x128xf32, #tpu.memory_space<vmem_shared>>) offsets(%dma_start3A_50 : memref<128xi32, #tpu.memory_space<vmem>>) semaphore(%run_scoped3A : memref<!tpu.dma_semaphore, #tpu.memory_space<semaphore_mem>>) {add = true}
        %dma_wait3A_54 = arith.constant 0 : i32
        %dma_wait3A_55 = tpu.memref_slice %arg7[%scan3A_37, %dma_wait3A_54] : memref<79x128xi32, #tpu.memory_space<vmem>> -> memref<1x128xi32, #tpu.memory_space<vmem>>
        %dma_wait3A_56 = tpu.memref_squeeze %dma_wait3A_55 : memref<1x128xi32, #tpu.memory_space<vmem>> -> memref<128xi32, #tpu.memory_space<vmem>>
        %dma_wait3A_57 = arith.constant 0 : i32
        %dma_wait3A_58 = arith.constant 0 : i32
        %dma_wait3A_59 = tpu.memref_slice %arg9[%dma_wait3A_57, %dma_wait3A_58] : memref<10240x128xf32, #tpu.memory_space<vmem_shared>> -> memref<10240x128xf32, #tpu.memory_space<vmem_shared>>
        tpu.wait_indirect_dma semaphore(%run_scoped3A : memref<!tpu.dma_semaphore, #tpu.memory_space<semaphore_mem>>) src(%arg8 : memref<128x128xf32, #tpu.memory_space<vmem>>) dst(%dma_wait3A_59 : memref<10240x128xf32, #tpu.memory_space<vmem_shared>>)
        tpu.yield
      }) : () -> ()
    }
    %scan3A_31 = arith.constant 79 : i32
    %barrier3A_32 = arith.constant 0 : index
    tpu.barrier barrier_id(%barrier3A_32)
    %mul3A_33 = arith.constant 640 : i32
    %mul3A_34 = arith.muli %arg1, %mul3A_33 : i32
    %mul3A_35 = arith.constant 640 : i32
    %mul3A_36 = arith.muli %arg1, %mul3A_35 : i32
    "tpu.region"() ({
      %run_scoped3A = tpu.sem_alloc : memref<!tpu.dma_semaphore, #tpu.memory_space<semaphore_mem>>
      %dma_start3A = arith.constant 0 : i32
      %dma_start3A_37 = tpu.memref_slice %arg5[%arg0, %mul3A_36, %dma_start3A] : memref<2x10240x128xf32, #tpu.memory_space<hbm>> -> memref<1x640x128xf32, #tpu.memory_space<hbm>>
      %dma_start3A_38 = tpu.memref_squeeze %dma_start3A_37 : memref<1x640x128xf32, #tpu.memory_space<hbm>> -> memref<640x128xf32, #tpu.memory_space<hbm>>
      %dma_start3A_39 = arith.constant 0 : i32
      %dma_start3A_40 = tpu.memref_slice %arg9[%mul3A_34, %dma_start3A_39] : memref<10240x128xf32, #tpu.memory_space<vmem_shared>> -> memref<640x128xf32, #tpu.memory_space<vmem_shared>>
      tpu.enqueue_dma source(%dma_start3A_40 : memref<640x128xf32, #tpu.memory_space<vmem_shared>>) target(%dma_start3A_38 : memref<640x128xf32, #tpu.memory_space<hbm>>) target_semaphore(%run_scoped3A : memref<!tpu.dma_semaphore, #tpu.memory_space<semaphore_mem>>)
      %dma_wait3A = arith.constant 0 : i32
      %dma_wait3A_41 = tpu.memref_slice %arg5[%arg0, %mul3A_36, %dma_wait3A] : memref<2x10240x128xf32, #tpu.memory_space<hbm>> -> memref<1x640x128xf32, #tpu.memory_space<hbm>>
      %dma_wait3A_42 = tpu.memref_squeeze %dma_wait3A_41 : memref<1x640x128xf32, #tpu.memory_space<hbm>> -> memref<640x128xf32, #tpu.memory_space<hbm>>
      %dma_wait3A_43 = arith.constant 0 : i32
      %dma_wait3A_44 = tpu.memref_slice %arg9[%mul3A_34, %dma_wait3A_43] : memref<10240x128xf32, #tpu.memory_space<vmem_shared>> -> memref<640x128xf32, #tpu.memory_space<vmem_shared>>
      tpu.wait_dma2 semaphore(%run_scoped3A : memref<!tpu.dma_semaphore, #tpu.memory_space<semaphore_mem>>) src(%dma_wait3A_44 : memref<640x128xf32, #tpu.memory_space<vmem_shared>>) dst(%dma_wait3A_42 : memref<640x128xf32, #tpu.memory_space<hbm>>)
      tpu.yield
    }) : () -> ()
    return
  }
}

#map = affine_map<(d0, d1) -> (0, 0)>
#map1 = affine_map<(d0, d1) -> (0, 0, 0)>
module attributes {stable_mosaic.version = 14 : i64} {
  func.func @_sc_agg(%arg0: i32, %arg1: i32, %arg2: memref<10000x128xf32, #tpu.memory_space<hbm>>, %arg3: memref<32x79x128xi32, #tpu.memory_space<hbm>>, %arg4: memref<32x79x128xi32, #tpu.memory_space<hbm>>, %arg5: memref<2x10240x128xf32, #tpu.memory_space<hbm>>, %arg6: memref<79x128xi32, #tpu.memory_space<vmem>>, %arg7: memref<79x128xi32, #tpu.memory_space<vmem>>, %arg8: memref<128x128xf32, #tpu.memory_space<vmem>>, %arg9: memref<10240x128xf32, #tpu.memory_space<vmem_shared>>, %arg10: memref<!tpu.dma_semaphore, #tpu.memory_space<semaphore_mem>>) attributes {dimension_semantics = [#tpu.dimension_semantics<core_parallel>, #tpu.dimension_semantics<subcore_parallel>], iteration_bounds = array<i64: 2, 16>, scalar_prefetch = 0 : i64, scratch_operands = 5 : i64, tpu.core_type = #tpu.core_type<sc_vector_subcore>, window_params = [{transform_indices = #map}, {transform_indices = #map1}, {transform_indices = #map1}, {transform_indices = #map1}]} {
    %mul3A = arith.constant 16 : i32
    %mul3A_0 = arith.muli %arg0, %mul3A : i32
    %add3A = arith.addi %mul3A_0, %arg1 : i32
    %scan3A = arith.constant 0 : i32
    %scan3A_1 = arith.constant 0 : i32
    %scan3A_2 = arith.constant 128 : i32
    %scan3A_3 = arith.addi %scan3A_1, %scan3A_2 : i32
    %scan3A_4 = arith.constant 1 : i32
    scf.for %scan3A_37 = %scan3A_1 to %scan3A_3 step %scan3A_4  : i32 {
      %broadcast_in_dim3A = arith.constant 0.000000e+00 : f32
      %broadcast_in_dim3A_38 = vector.broadcast %broadcast_in_dim3A : f32 to vector<16xf32>
      %swap3A = arith.index_cast %scan3A_37 : i32 to index
      %swap3A_39 = arith.constant 0 : index
      %swap3A_40 = tpu.vector_load %arg8[%swap3A, %swap3A_39] {strides = array<i32>} : memref<128x128xf32, #tpu.memory_space<vmem>>, vector<1x16xf32>,
      %swap3A_41 = vector.shape_cast %swap3A_40 : vector<1x16xf32> to vector<16xf32>
      %swap3A_42 = vector.shape_cast %broadcast_in_dim3A_38 : vector<16xf32> to vector<1x16xf32>
      tpu.vector_store %arg8[%swap3A, %swap3A_39], %swap3A_42 {strides = array<i32>} : memref<128x128xf32, #tpu.memory_space<vmem>>, vector<1x16xf32>,
      %broadcast_in_dim3A_43 = arith.constant 0.000000e+00 : f32
      %broadcast_in_dim3A_44 = vector.broadcast %broadcast_in_dim3A_43 : f32 to vector<16xf32>
      %swap3A_45 = arith.index_cast %scan3A_37 : i32 to index
      %swap3A_46 = arith.constant 16 : index
      %swap3A_47 = tpu.vector_load %arg8[%swap3A_45, %swap3A_46] {strides = array<i32>} : memref<128x128xf32, #tpu.memory_space<vmem>>, vector<1x16xf32>,
      %swap3A_48 = vector.shape_cast %swap3A_47 : vector<1x16xf32> to vector<16xf32>
      %swap3A_49 = vector.shape_cast %broadcast_in_dim3A_44 : vector<16xf32> to vector<1x16xf32>
      tpu.vector_store %arg8[%swap3A_45, %swap3A_46], %swap3A_49 {strides = array<i32>} : memref<128x128xf32, #tpu.memory_space<vmem>>, vector<1x16xf32>,
      %broadcast_in_dim3A_50 = arith.constant 0.000000e+00 : f32
      %broadcast_in_dim3A_51 = vector.broadcast %broadcast_in_dim3A_50 : f32 to vector<16xf32>
      %swap3A_52 = arith.index_cast %scan3A_37 : i32 to index
      %swap3A_53 = arith.constant 32 : index
      %swap3A_54 = tpu.vector_load %arg8[%swap3A_52, %swap3A_53] {strides = array<i32>} : memref<128x128xf32, #tpu.memory_space<vmem>>, vector<1x16xf32>,
      %swap3A_55 = vector.shape_cast %swap3A_54 : vector<1x16xf32> to vector<16xf32>
      %swap3A_56 = vector.shape_cast %broadcast_in_dim3A_51 : vector<16xf32> to vector<1x16xf32>
      tpu.vector_store %arg8[%swap3A_52, %swap3A_53], %swap3A_56 {strides = array<i32>} : memref<128x128xf32, #tpu.memory_space<vmem>>, vector<1x16xf32>,
      %broadcast_in_dim3A_57 = arith.constant 0.000000e+00 : f32
      %broadcast_in_dim3A_58 = vector.broadcast %broadcast_in_dim3A_57 : f32 to vector<16xf32>
      %swap3A_59 = arith.index_cast %scan3A_37 : i32 to index
      %swap3A_60 = arith.constant 48 : index
      %swap3A_61 = tpu.vector_load %arg8[%swap3A_59, %swap3A_60] {strides = array<i32>} : memref<128x128xf32, #tpu.memory_space<vmem>>, vector<1x16xf32>,
      %swap3A_62 = vector.shape_cast %swap3A_61 : vector<1x16xf32> to vector<16xf32>
      %swap3A_63 = vector.shape_cast %broadcast_in_dim3A_58 : vector<16xf32> to vector<1x16xf32>
      tpu.vector_store %arg8[%swap3A_59, %swap3A_60], %swap3A_63 {strides = array<i32>} : memref<128x128xf32, #tpu.memory_space<vmem>>, vector<1x16xf32>,
      %broadcast_in_dim3A_64 = arith.constant 0.000000e+00 : f32
      %broadcast_in_dim3A_65 = vector.broadcast %broadcast_in_dim3A_64 : f32 to vector<16xf32>
      %swap3A_66 = arith.index_cast %scan3A_37 : i32 to index
      %swap3A_67 = arith.constant 64 : index
      %swap3A_68 = tpu.vector_load %arg8[%swap3A_66, %swap3A_67] {strides = array<i32>} : memref<128x128xf32, #tpu.memory_space<vmem>>, vector<1x16xf32>,
      %swap3A_69 = vector.shape_cast %swap3A_68 : vector<1x16xf32> to vector<16xf32>
      %swap3A_70 = vector.shape_cast %broadcast_in_dim3A_65 : vector<16xf32> to vector<1x16xf32>
      tpu.vector_store %arg8[%swap3A_66, %swap3A_67], %swap3A_70 {strides = array<i32>} : memref<128x128xf32, #tpu.memory_space<vmem>>, vector<1x16xf32>,
      %broadcast_in_dim3A_71 = arith.constant 0.000000e+00 : f32
      %broadcast_in_dim3A_72 = vector.broadcast %broadcast_in_dim3A_71 : f32 to vector<16xf32>
      %swap3A_73 = arith.index_cast %scan3A_37 : i32 to index
      %swap3A_74 = arith.constant 80 : index
      %swap3A_75 = tpu.vector_load %arg8[%swap3A_73, %swap3A_74] {strides = array<i32>} : memref<128x128xf32, #tpu.memory_space<vmem>>, vector<1x16xf32>,
      %swap3A_76 = vector.shape_cast %swap3A_75 : vector<1x16xf32> to vector<16xf32>
      %swap3A_77 = vector.shape_cast %broadcast_in_dim3A_72 : vector<16xf32> to vector<1x16xf32>
      tpu.vector_store %arg8[%swap3A_73, %swap3A_74], %swap3A_77 {strides = array<i32>} : memref<128x128xf32, #tpu.memory_space<vmem>>, vector<1x16xf32>,
      %broadcast_in_dim3A_78 = arith.constant 0.000000e+00 : f32
      %broadcast_in_dim3A_79 = vector.broadcast %broadcast_in_dim3A_78 : f32 to vector<16xf32>
      %swap3A_80 = arith.index_cast %scan3A_37 : i32 to index
      %swap3A_81 = arith.constant 96 : index
      %swap3A_82 = tpu.vector_load %arg8[%swap3A_80, %swap3A_81] {strides = array<i32>} : memref<128x128xf32, #tpu.memory_space<vmem>>, vector<1x16xf32>,
      %swap3A_83 = vector.shape_cast %swap3A_82 : vector<1x16xf32> to vector<16xf32>
      %swap3A_84 = vector.shape_cast %broadcast_in_dim3A_79 : vector<16xf32> to vector<1x16xf32>
      tpu.vector_store %arg8[%swap3A_80, %swap3A_81], %swap3A_84 {strides = array<i32>} : memref<128x128xf32, #tpu.memory_space<vmem>>, vector<1x16xf32>,
      %broadcast_in_dim3A_85 = arith.constant 0.000000e+00 : f32
      %broadcast_in_dim3A_86 = vector.broadcast %broadcast_in_dim3A_85 : f32 to vector<16xf32>
      %swap3A_87 = arith.index_cast %scan3A_37 : i32 to index
      %swap3A_88 = arith.constant 112 : index
      %swap3A_89 = tpu.vector_load %arg8[%swap3A_87, %swap3A_88] {strides = array<i32>} : memref<128x128xf32, #tpu.memory_space<vmem>>, vector<1x16xf32>,
      %swap3A_90 = vector.shape_cast %swap3A_89 : vector<1x16xf32> to vector<16xf32>
      %swap3A_91 = vector.shape_cast %broadcast_in_dim3A_86 : vector<16xf32> to vector<1x16xf32>
      tpu.vector_store %arg8[%swap3A_87, %swap3A_88], %swap3A_91 {strides = array<i32>} : memref<128x128xf32, #tpu.memory_space<vmem>>, vector<1x16xf32>,
    }
    %scan3A_5 = arith.constant 128 : i32
    %mul3A_6 = arith.constant 640 : i32
    %mul3A_7 = arith.muli %arg1, %mul3A_6 : i32
    %add3A_8 = arith.constant 0 : i32
    %add3A_9 = arith.addi %mul3A_7, %add3A_8 : i32
    "tpu.region"() ({
      %run_scoped3A = tpu.sem_alloc : memref<!tpu.dma_semaphore, #tpu.memory_space<semaphore_mem>>
      %dma_start3A = arith.constant 0 : i32
      %dma_start3A_37 = tpu.memref_slice %arg9[%add3A_9, %dma_start3A] : memref<10240x128xf32, #tpu.memory_space<vmem_shared>> -> memref<128x128xf32, #tpu.memory_space<vmem_shared>>
      %dma_start3A_38 = arith.constant 0 : i32
      %dma_start3A_39 = tpu.memref_slice %arg9[%add3A_9, %dma_start3A_38] : memref<10240x128xf32, #tpu.memory_space<vmem_shared>> -> memref<128x128xf32, #tpu.memory_space<vmem_shared>>
      tpu.enqueue_dma source(%arg8 : memref<128x128xf32, #tpu.memory_space<vmem>>) target(%dma_start3A_39 : memref<128x128xf32, #tpu.memory_space<vmem_shared>>) target_semaphore(%run_scoped3A : memref<!tpu.dma_semaphore, #tpu.memory_space<semaphore_mem>>)
      %dma_wait3A = arith.constant 0 : i32
      %dma_wait3A_40 = tpu.memref_slice %arg9[%add3A_9, %dma_wait3A] : memref<10240x128xf32, #tpu.memory_space<vmem_shared>> -> memref<128x128xf32, #tpu.memory_space<vmem_shared>>
      %dma_wait3A_41 = arith.constant 0 : i32
      %dma_wait3A_42 = tpu.memref_slice %arg9[%add3A_9, %dma_wait3A_41] : memref<10240x128xf32, #tpu.memory_space<vmem_shared>> -> memref<128x128xf32, #tpu.memory_space<vmem_shared>>
      tpu.wait_dma2 semaphore(%run_scoped3A : memref<!tpu.dma_semaphore, #tpu.memory_space<semaphore_mem>>) src(%arg8 : memref<128x128xf32, #tpu.memory_space<vmem>>) dst(%dma_wait3A_42 : memref<128x128xf32, #tpu.memory_space<vmem_shared>>)
      tpu.yield
    }) : () -> ()
    %mul3A_10 = arith.constant 640 : i32
    %mul3A_11 = arith.muli %arg1, %mul3A_10 : i32
    %add3A_12 = arith.constant 128 : i32
    %add3A_13 = arith.addi %mul3A_11, %add3A_12 : i32
    "tpu.region"() ({
      %run_scoped3A = tpu.sem_alloc : memref<!tpu.dma_semaphore, #tpu.memory_space<semaphore_mem>>
      %dma_start3A = arith.constant 0 : i32
      %dma_start3A_37 = tpu.memref_slice %arg9[%add3A_13, %dma_start3A] : memref<10240x128xf32, #tpu.memory_space<vmem_shared>> -> memref<128x128xf32, #tpu.memory_space<vmem_shared>>
      %dma_start3A_38 = arith.constant 0 : i32
      %dma_start3A_39 = tpu.memref_slice %arg9[%add3A_13, %dma_start3A_38] : memref<10240x128xf32, #tpu.memory_space<vmem_shared>> -> memref<128x128xf32, #tpu.memory_space<vmem_shared>>
      tpu.enqueue_dma source(%arg8 : memref<128x128xf32, #tpu.memory_space<vmem>>) target(%dma_start3A_39 : memref<128x128xf32, #tpu.memory_space<vmem_shared>>) target_semaphore(%run_scoped3A : memref<!tpu.dma_semaphore, #tpu.memory_space<semaphore_mem>>)
      %dma_wait3A = arith.constant 0 : i32
      %dma_wait3A_40 = tpu.memref_slice %arg9[%add3A_13, %dma_wait3A] : memref<10240x128xf32, #tpu.memory_space<vmem_shared>> -> memref<128x128xf32, #tpu.memory_space<vmem_shared>>
      %dma_wait3A_41 = arith.constant 0 : i32
      %dma_wait3A_42 = tpu.memref_slice %arg9[%add3A_13, %dma_wait3A_41] : memref<10240x128xf32, #tpu.memory_space<vmem_shared>> -> memref<128x128xf32, #tpu.memory_space<vmem_shared>>
      tpu.wait_dma2 semaphore(%run_scoped3A : memref<!tpu.dma_semaphore, #tpu.memory_space<semaphore_mem>>) src(%arg8 : memref<128x128xf32, #tpu.memory_space<vmem>>) dst(%dma_wait3A_42 : memref<128x128xf32, #tpu.memory_space<vmem_shared>>)
      tpu.yield
    }) : () -> ()
    %mul3A_14 = arith.constant 640 : i32
    %mul3A_15 = arith.muli %arg1, %mul3A_14 : i32
    %add3A_16 = arith.constant 256 : i32
    %add3A_17 = arith.addi %mul3A_15, %add3A_16 : i32
    "tpu.region"() ({
      %run_scoped3A = tpu.sem_alloc : memref<!tpu.dma_semaphore, #tpu.memory_space<semaphore_mem>>
      %dma_start3A = arith.constant 0 : i32
      %dma_start3A_37 = tpu.memref_slice %arg9[%add3A_17, %dma_start3A] : memref<10240x128xf32, #tpu.memory_space<vmem_shared>> -> memref<128x128xf32, #tpu.memory_space<vmem_shared>>
      %dma_start3A_38 = arith.constant 0 : i32
      %dma_start3A_39 = tpu.memref_slice %arg9[%add3A_17, %dma_start3A_38] : memref<10240x128xf32, #tpu.memory_space<vmem_shared>> -> memref<128x128xf32, #tpu.memory_space<vmem_shared>>
      tpu.enqueue_dma source(%arg8 : memref<128x128xf32, #tpu.memory_space<vmem>>) target(%dma_start3A_39 : memref<128x128xf32, #tpu.memory_space<vmem_shared>>) target_semaphore(%run_scoped3A : memref<!tpu.dma_semaphore, #tpu.memory_space<semaphore_mem>>)
      %dma_wait3A = arith.constant 0 : i32
      %dma_wait3A_40 = tpu.memref_slice %arg9[%add3A_17, %dma_wait3A] : memref<10240x128xf32, #tpu.memory_space<vmem_shared>> -> memref<128x128xf32, #tpu.memory_space<vmem_shared>>
      %dma_wait3A_41 = arith.constant 0 : i32
      %dma_wait3A_42 = tpu.memref_slice %arg9[%add3A_17, %dma_wait3A_41] : memref<10240x128xf32, #tpu.memory_space<vmem_shared>> -> memref<128x128xf32, #tpu.memory_space<vmem_shared>>
      tpu.wait_dma2 semaphore(%run_scoped3A : memref<!tpu.dma_semaphore, #tpu.memory_space<semaphore_mem>>) src(%arg8 : memref<128x128xf32, #tpu.memory_space<vmem>>) dst(%dma_wait3A_42 : memref<128x128xf32, #tpu.memory_space<vmem_shared>>)
      tpu.yield
    }) : () -> ()
    %mul3A_18 = arith.constant 640 : i32
    %mul3A_19 = arith.muli %arg1, %mul3A_18 : i32
    %add3A_20 = arith.constant 384 : i32
    %add3A_21 = arith.addi %mul3A_19, %add3A_20 : i32
    "tpu.region"() ({
      %run_scoped3A = tpu.sem_alloc : memref<!tpu.dma_semaphore, #tpu.memory_space<semaphore_mem>>
      %dma_start3A = arith.constant 0 : i32
      %dma_start3A_37 = tpu.memref_slice %arg9[%add3A_21, %dma_start3A] : memref<10240x128xf32, #tpu.memory_space<vmem_shared>> -> memref<128x128xf32, #tpu.memory_space<vmem_shared>>
      %dma_start3A_38 = arith.constant 0 : i32
      %dma_start3A_39 = tpu.memref_slice %arg9[%add3A_21, %dma_start3A_38] : memref<10240x128xf32, #tpu.memory_space<vmem_shared>> -> memref<128x128xf32, #tpu.memory_space<vmem_shared>>
      tpu.enqueue_dma source(%arg8 : memref<128x128xf32, #tpu.memory_space<vmem>>) target(%dma_start3A_39 : memref<128x128xf32, #tpu.memory_space<vmem_shared>>) target_semaphore(%run_scoped3A : memref<!tpu.dma_semaphore, #tpu.memory_space<semaphore_mem>>)
      %dma_wait3A = arith.constant 0 : i32
      %dma_wait3A_40 = tpu.memref_slice %arg9[%add3A_21, %dma_wait3A] : memref<10240x128xf32, #tpu.memory_space<vmem_shared>> -> memref<128x128xf32, #tpu.memory_space<vmem_shared>>
      %dma_wait3A_41 = arith.constant 0 : i32
      %dma_wait3A_42 = tpu.memref_slice %arg9[%add3A_21, %dma_wait3A_41] : memref<10240x128xf32, #tpu.memory_space<vmem_shared>> -> memref<128x128xf32, #tpu.memory_space<vmem_shared>>
      tpu.wait_dma2 semaphore(%run_scoped3A : memref<!tpu.dma_semaphore, #tpu.memory_space<semaphore_mem>>) src(%arg8 : memref<128x128xf32, #tpu.memory_space<vmem>>) dst(%dma_wait3A_42 : memref<128x128xf32, #tpu.memory_space<vmem_shared>>)
      tpu.yield
    }) : () -> ()
    %mul3A_22 = arith.constant 640 : i32
    %mul3A_23 = arith.muli %arg1, %mul3A_22 : i32
    %add3A_24 = arith.constant 512 : i32
    %add3A_25 = arith.addi %mul3A_23, %add3A_24 : i32
    "tpu.region"() ({
      %run_scoped3A = tpu.sem_alloc : memref<!tpu.dma_semaphore, #tpu.memory_space<semaphore_mem>>
      %dma_start3A = arith.constant 0 : i32
      %dma_start3A_37 = tpu.memref_slice %arg9[%add3A_25, %dma_start3A] : memref<10240x128xf32, #tpu.memory_space<vmem_shared>> -> memref<128x128xf32, #tpu.memory_space<vmem_shared>>
      %dma_start3A_38 = arith.constant 0 : i32
      %dma_start3A_39 = tpu.memref_slice %arg9[%add3A_25, %dma_start3A_38] : memref<10240x128xf32, #tpu.memory_space<vmem_shared>> -> memref<128x128xf32, #tpu.memory_space<vmem_shared>>
      tpu.enqueue_dma source(%arg8 : memref<128x128xf32, #tpu.memory_space<vmem>>) target(%dma_start3A_39 : memref<128x128xf32, #tpu.memory_space<vmem_shared>>) target_semaphore(%run_scoped3A : memref<!tpu.dma_semaphore, #tpu.memory_space<semaphore_mem>>)
      %dma_wait3A = arith.constant 0 : i32
      %dma_wait3A_40 = tpu.memref_slice %arg9[%add3A_25, %dma_wait3A] : memref<10240x128xf32, #tpu.memory_space<vmem_shared>> -> memref<128x128xf32, #tpu.memory_space<vmem_shared>>
      %dma_wait3A_41 = arith.constant 0 : i32
      %dma_wait3A_42 = tpu.memref_slice %arg9[%add3A_25, %dma_wait3A_41] : memref<10240x128xf32, #tpu.memory_space<vmem_shared>> -> memref<128x128xf32, #tpu.memory_space<vmem_shared>>
      tpu.wait_dma2 semaphore(%run_scoped3A : memref<!tpu.dma_semaphore, #tpu.memory_space<semaphore_mem>>) src(%arg8 : memref<128x128xf32, #tpu.memory_space<vmem>>) dst(%dma_wait3A_42 : memref<128x128xf32, #tpu.memory_space<vmem_shared>>)
      tpu.yield
    }) : () -> ()
    %barrier3A = arith.constant 0 : index
    tpu.barrier barrier_id(%barrier3A)
    "tpu.region"() ({
      %run_scoped3A = tpu.sem_alloc : memref<!tpu.dma_semaphore, #tpu.memory_space<semaphore_mem>>
      %dma_start3A = arith.constant 0 : i32
      %dma_start3A_37 = arith.constant 0 : i32
      %dma_start3A_38 = tpu.memref_slice %arg3[%add3A, %dma_start3A, %dma_start3A_37] : memref<32x79x128xi32, #tpu.memory_space<hbm>> -> memref<1x79x128xi32, #tpu.memory_space<hbm>>
      %dma_start3A_39 = tpu.memref_squeeze %dma_start3A_38 : memref<1x79x128xi32, #tpu.memory_space<hbm>> -> memref<79x128xi32, #tpu.memory_space<hbm>>
      %dma_start3A_40 = arith.constant 0 : i32
      %dma_start3A_41 = arith.constant 0 : i32
      %dma_start3A_42 = tpu.memref_slice %arg3[%add3A, %dma_start3A_40, %dma_start3A_41] : memref<32x79x128xi32, #tpu.memory_space<hbm>> -> memref<1x79x128xi32, #tpu.memory_space<hbm>>
      %dma_start3A_43 = tpu.memref_squeeze %dma_start3A_42 : memref<1x79x128xi32, #tpu.memory_space<hbm>> -> memref<79x128xi32, #tpu.memory_space<hbm>>
      tpu.enqueue_dma source(%dma_start3A_43 : memref<79x128xi32, #tpu.memory_space<hbm>>) target(%arg6 : memref<79x128xi32, #tpu.memory_space<vmem>>) target_semaphore(%run_scoped3A : memref<!tpu.dma_semaphore, #tpu.memory_space<semaphore_mem>>)
      %dma_wait3A = arith.constant 0 : i32
      %dma_wait3A_44 = arith.constant 0 : i32
      %dma_wait3A_45 = tpu.memref_slice %arg3[%add3A, %dma_wait3A, %dma_wait3A_44] : memref<32x79x128xi32, #tpu.memory_space<hbm>> -> memref<1x79x128xi32, #tpu.memory_space<hbm>>
      %dma_wait3A_46 = tpu.memref_squeeze %dma_wait3A_45 : memref<1x79x128xi32, #tpu.memory_space<hbm>> -> memref<79x128xi32, #tpu.memory_space<hbm>>
      %dma_wait3A_47 = arith.constant 0 : i32
      %dma_wait3A_48 = arith.constant 0 : i32
      %dma_wait3A_49 = tpu.memref_slice %arg3[%add3A, %dma_wait3A_47, %dma_wait3A_48] : memref<32x79x128xi32, #tpu.memory_space<hbm>> -> memref<1x79x128xi32, #tpu.memory_space<hbm>>
      %dma_wait3A_50 = tpu.memref_squeeze %dma_wait3A_49 : memref<1x79x128xi32, #tpu.memory_space<hbm>> -> memref<79x128xi32, #tpu.memory_space<hbm>>
      tpu.wait_dma2 semaphore(%run_scoped3A : memref<!tpu.dma_semaphore, #tpu.memory_space<semaphore_mem>>) src(%dma_wait3A_50 : memref<79x128xi32, #tpu.memory_space<hbm>>) dst(%arg6 : memref<79x128xi32, #tpu.memory_space<vmem>>)
      tpu.yield
    }) : () -> ()
    "tpu.region"() ({
      %run_scoped3A = tpu.sem_alloc : memref<!tpu.dma_semaphore, #tpu.memory_space<semaphore_mem>>
      %dma_start3A = arith.constant 0 : i32
      %dma_start3A_37 = arith.constant 0 : i32
      %dma_start3A_38 = tpu.memref_slice %arg4[%add3A, %dma_start3A, %dma_start3A_37] : memref<32x79x128xi32, #tpu.memory_space<hbm>> -> memref<1x79x128xi32, #tpu.memory_space<hbm>>
      %dma_start3A_39 = tpu.memref_squeeze %dma_start3A_38 : memref<1x79x128xi32, #tpu.memory_space<hbm>> -> memref<79x128xi32, #tpu.memory_space<hbm>>
      %dma_start3A_40 = arith.constant 0 : i32
      %dma_start3A_41 = arith.constant 0 : i32
      %dma_start3A_42 = tpu.memref_slice %arg4[%add3A, %dma_start3A_40, %dma_start3A_41] : memref<32x79x128xi32, #tpu.memory_space<hbm>> -> memref<1x79x128xi32, #tpu.memory_space<hbm>>
      %dma_start3A_43 = tpu.memref_squeeze %dma_start3A_42 : memref<1x79x128xi32, #tpu.memory_space<hbm>> -> memref<79x128xi32, #tpu.memory_space<hbm>>
      tpu.enqueue_dma source(%dma_start3A_43 : memref<79x128xi32, #tpu.memory_space<hbm>>) target(%arg7 : memref<79x128xi32, #tpu.memory_space<vmem>>) target_semaphore(%run_scoped3A : memref<!tpu.dma_semaphore, #tpu.memory_space<semaphore_mem>>)
      %dma_wait3A = arith.constant 0 : i32
      %dma_wait3A_44 = arith.constant 0 : i32
      %dma_wait3A_45 = tpu.memref_slice %arg4[%add3A, %dma_wait3A, %dma_wait3A_44] : memref<32x79x128xi32, #tpu.memory_space<hbm>> -> memref<1x79x128xi32, #tpu.memory_space<hbm>>
      %dma_wait3A_46 = tpu.memref_squeeze %dma_wait3A_45 : memref<1x79x128xi32, #tpu.memory_space<hbm>> -> memref<79x128xi32, #tpu.memory_space<hbm>>
      %dma_wait3A_47 = arith.constant 0 : i32
      %dma_wait3A_48 = arith.constant 0 : i32
      %dma_wait3A_49 = tpu.memref_slice %arg4[%add3A, %dma_wait3A_47, %dma_wait3A_48] : memref<32x79x128xi32, #tpu.memory_space<hbm>> -> memref<1x79x128xi32, #tpu.memory_space<hbm>>
      %dma_wait3A_50 = tpu.memref_squeeze %dma_wait3A_49 : memref<1x79x128xi32, #tpu.memory_space<hbm>> -> memref<79x128xi32, #tpu.memory_space<hbm>>
      tpu.wait_dma2 semaphore(%run_scoped3A : memref<!tpu.dma_semaphore, #tpu.memory_space<semaphore_mem>>) src(%dma_wait3A_50 : memref<79x128xi32, #tpu.memory_space<hbm>>) dst(%arg7 : memref<79x128xi32, #tpu.memory_space<vmem>>)
      tpu.yield
    }) : () -> ()
    %scan3A_26 = arith.constant 0 : i32
    %scan3A_27 = arith.constant 0 : i32
    %scan3A_28 = arith.constant 79 : i32
    %scan3A_29 = arith.addi %scan3A_27, %scan3A_28 : i32
    %scan3A_30 = arith.constant 1 : i32
    scf.for %scan3A_37 = %scan3A_27 to %scan3A_29 step %scan3A_30  : i32 {
      %dma_start3A = arith.constant 0 : i32
      %dma_start3A_38 = tpu.memref_slice %arg6[%scan3A_37, %dma_start3A] : memref<79x128xi32, #tpu.memory_space<vmem>> -> memref<1x128xi32, #tpu.memory_space<vmem>>
      %dma_start3A_39 = tpu.memref_squeeze %dma_start3A_38 : memref<1x128xi32, #tpu.memory_space<vmem>> -> memref<128xi32, #tpu.memory_space<vmem>>
      %dma_start3A_40 = arith.constant 0 : i32
      %dma_start3A_41 = arith.constant 0 : i32
      %dma_start3A_42 = tpu.memref_slice %arg2[%dma_start3A_40, %dma_start3A_41] : memref<10000x128xf32, #tpu.memory_space<hbm>> -> memref<10000x128xf32, #tpu.memory_space<hbm>>
      tpu.enqueue_indirect_dma source(%dma_start3A_42 : memref<10000x128xf32, #tpu.memory_space<hbm>>) target(%arg8 : memref<128x128xf32, #tpu.memory_space<vmem>>) offsets(%dma_start3A_39 : memref<128xi32, #tpu.memory_space<vmem>>) semaphore(%arg10 : memref<!tpu.dma_semaphore, #tpu.memory_space<semaphore_mem>>)
      %dma_wait3A = arith.constant 0 : i32
      %dma_wait3A_43 = tpu.memref_slice %arg6[%scan3A_37, %dma_wait3A] : memref<79x128xi32, #tpu.memory_space<vmem>> -> memref<1x128xi32, #tpu.memory_space<vmem>>
      %dma_wait3A_44 = tpu.memref_squeeze %dma_wait3A_43 : memref<1x128xi32, #tpu.memory_space<vmem>> -> memref<128xi32, #tpu.memory_space<vmem>>
      %dma_wait3A_45 = arith.constant 0 : i32
      %dma_wait3A_46 = arith.constant 0 : i32
      %dma_wait3A_47 = tpu.memref_slice %arg2[%dma_wait3A_45, %dma_wait3A_46] : memref<10000x128xf32, #tpu.memory_space<hbm>> -> memref<10000x128xf32, #tpu.memory_space<hbm>>
      tpu.wait_indirect_dma semaphore(%arg10 : memref<!tpu.dma_semaphore, #tpu.memory_space<semaphore_mem>>) src(%dma_wait3A_47 : memref<10000x128xf32, #tpu.memory_space<hbm>>) dst(%arg8 : memref<128x128xf32, #tpu.memory_space<vmem>>)
      "tpu.region"() ({
        %run_scoped3A = tpu.sem_alloc : memref<!tpu.dma_semaphore, #tpu.memory_space<semaphore_mem>>
        %dma_start3A_48 = arith.constant 0 : i32
        %dma_start3A_49 = tpu.memref_slice %arg7[%scan3A_37, %dma_start3A_48] : memref<79x128xi32, #tpu.memory_space<vmem>> -> memref<1x128xi32, #tpu.memory_space<vmem>>
        %dma_start3A_50 = tpu.memref_squeeze %dma_start3A_49 : memref<1x128xi32, #tpu.memory_space<vmem>> -> memref<128xi32, #tpu.memory_space<vmem>>
        %dma_start3A_51 = arith.constant 0 : i32
        %dma_start3A_52 = arith.constant 0 : i32
        %dma_start3A_53 = tpu.memref_slice %arg9[%dma_start3A_51, %dma_start3A_52] : memref<10240x128xf32, #tpu.memory_space<vmem_shared>> -> memref<10240x128xf32, #tpu.memory_space<vmem_shared>>
        tpu.enqueue_indirect_dma source(%arg8 : memref<128x128xf32, #tpu.memory_space<vmem>>) target(%dma_start3A_53 : memref<10240x128xf32, #tpu.memory_space<vmem_shared>>) offsets(%dma_start3A_50 : memref<128xi32, #tpu.memory_space<vmem>>) semaphore(%run_scoped3A : memref<!tpu.dma_semaphore, #tpu.memory_space<semaphore_mem>>) {add = true}
        %dma_wait3A_54 = arith.constant 0 : i32
        %dma_wait3A_55 = tpu.memref_slice %arg7[%scan3A_37, %dma_wait3A_54] : memref<79x128xi32, #tpu.memory_space<vmem>> -> memref<1x128xi32, #tpu.memory_space<vmem>>
        %dma_wait3A_56 = tpu.memref_squeeze %dma_wait3A_55 : memref<1x128xi32, #tpu.memory_space<vmem>> -> memref<128xi32, #tpu.memory_space<vmem>>
        %dma_wait3A_57 = arith.constant 0 : i32
        %dma_wait3A_58 = arith.constant 0 : i32
        %dma_wait3A_59 = tpu.memref_slice %arg9[%dma_wait3A_57, %dma_wait3A_58] : memref<10240x128xf32, #tpu.memory_space<vmem_shared>> -> memref<10240x128xf32, #tpu.memory_space<vmem_shared>>
        tpu.wait_indirect_dma semaphore(%run_scoped3A : memref<!tpu.dma_semaphore, #tpu.memory_space<semaphore_mem>>) src(%arg8 : memref<128x128xf32, #tpu.memory_space<vmem>>) dst(%dma_wait3A_59 : memref<10240x128xf32, #tpu.memory_space<vmem_shared>>)
        tpu.yield
      }) : () -> ()
    }
    %scan3A_31 = arith.constant 79 : i32
    %barrier3A_32 = arith.constant 0 : index
    tpu.barrier barrier_id(%barrier3A_32)
    %mul3A_33 = arith.constant 640 : i32
    %mul3A_34 = arith.muli %arg1, %mul3A_33 : i32
    %mul3A_35 = arith.constant 640 : i32
    %mul3A_36 = arith.muli %arg1, %mul3A_35 : i32
    "tpu.region"() ({
      %run_scoped3A = tpu.sem_alloc : memref<!tpu.dma_semaphore, #tpu.memory_space<semaphore_mem>>
      %dma_start3A = arith.constant 0 : i32
      %dma_start3A_37 = tpu.memref_slice %arg5[%arg0, %mul3A_36, %dma_start3A] : memref<2x10240x128xf32, #tpu.memory_space<hbm>> -> memref<1x640x128xf32, #tpu.memory_space<hbm>>
      %dma_start3A_38 = tpu.memref_squeeze %dma_start3A_37 : memref<1x640x128xf32, #tpu.memory_space<hbm>> -> memref<640x128xf32, #tpu.memory_space<hbm>>
      %dma_start3A_39 = arith.constant 0 : i32
      %dma_start3A_40 = tpu.memref_slice %arg9[%mul3A_34, %dma_start3A_39] : memref<10240x128xf32, #tpu.memory_space<vmem_shared>> -> memref<640x128xf32, #tpu.memory_space<vmem_shared>>
      tpu.enqueue_dma source(%dma_start3A_40 : memref<640x128xf32, #tpu.memory_space<vmem_shared>>) target(%dma_start3A_38 : memref<640x128xf32, #tpu.memory_space<hbm>>) target_semaphore(%run_scoped3A : memref<!tpu.dma_semaphore, #tpu.memory_space<semaphore_mem>>)
      %dma_wait3A = arith.constant 0 : i32
      %dma_wait3A_41 = tpu.memref_slice %arg5[%arg0, %mul3A_36, %dma_wait3A] : memref<2x10240x128xf32, #tpu.memory_space<hbm>> -> memref<1x640x128xf32, #tpu.memory_space<hbm>>
      %dma_wait3A_42 = tpu.memref_squeeze %dma_wait3A_41 : memref<1x640x128xf32, #tpu.memory_space<hbm>> -> memref<640x128xf32, #tpu.memory_space<hbm>>
      %dma_wait3A_43 = arith.constant 0 : i32
      %dma_wait3A_44 = tpu.memref_slice %arg9[%mul3A_34, %dma_wait3A_43] : memref<10240x128xf32, #tpu.memory_space<vmem_shared>> -> memref<640x128xf32, #tpu.memory_space<vmem_shared>>
      tpu.wait_dma2 semaphore(%run_scoped3A : memref<!tpu.dma_semaphore, #tpu.memory_space<semaphore_mem>>) src(%dma_wait3A_44 : memref<640x128xf32, #tpu.memory_space<vmem_shared>>) dst(%dma_wait3A_42 : memref<640x128xf32, #tpu.memory_space<hbm>>)
      tpu.yield
    }) : () -> ()
    return
  }
}

module attributes {stable_mosaic.version = 14 : i64} {
  func.func @_tc1_body(%arg0: i32, %arg1: memref<1000x128xf32, #tpu.memory_space<vmem>>, %arg2: memref<1000x1xf32, #tpu.memory_space<vmem>>, %arg3: memref<1000x1xf32, #tpu.memory_space<vmem>>, %arg4: memref<128x128xf32, #tpu.memory_space<vmem>>, %arg5: memref<1000x128xf32, #tpu.memory_space<vmem>>, %arg6: memref<1000x1xf32, #tpu.memory_space<vmem>>) attributes {dimension_semantics = [#tpu.dimension_semantics<arbitrary>], iteration_bounds = array<i64: 10>, scalar_prefetch = 0 : i64, scratch_operands = 0 : i64, tpu.core_type = #tpu.core_type<tc>, window_params = [{transform_indices = @transform_0, window_bounds = array<i64: 1000, 128>}, {transform_indices = @transform_1, window_bounds = array<i64: 1000, 1>}, {transform_indices = @transform_2, window_bounds = array<i64: 1000, 1>}, {pipeline_mode = #tpu.pipeline_mode<synchronous>, transform_indices = @transform_3, window_bounds = array<i64: 128, 128>}, {transform_indices = @transform_4, window_bounds = array<i64: 1000, 128>}, {transform_indices = @transform_5, window_bounds = array<i64: 1000, 1>}]} {
    %get3A = arith.constant 0 : index
    %get3A_0 = arith.constant 0 : index
    %get3A_1 = vector.load %arg2[%get3A, %get3A_0] : memref<1000x1xf32, #tpu.memory_space<vmem>>, vector<1000x1xf32>
    %get3A_2 = arith.constant 0 : index
    %get3A_3 = arith.constant 0 : index
    %get3A_4 = vector.load %arg3[%get3A_2, %get3A_3] : memref<1000x1xf32, #tpu.memory_space<vmem>>, vector<1000x1xf32>
    %add3A = arith.addf %get3A_1, %get3A_4 : vector<1000x1xf32>
    %add3A_5 = arith.constant 1.000000e+00 : f32
    %add3A_6 = vector.broadcast %add3A_5 : f32 to vector<1000x1xf32>
    %add3A_7 = arith.addf %add3A, %add3A_6 : vector<1000x1xf32>
    %rsqrt3A = math.rsqrt %add3A_7 : vector<1000x1xf32>
    %get3A_8 = arith.constant 0 : index
    %get3A_9 = arith.constant 0 : index
    %get3A_10 = vector.load %arg1[%get3A_8, %get3A_9] : memref<1000x128xf32, #tpu.memory_space<vmem>>, vector<1000x128xf32>
    %get3A_11 = arith.constant 0 : index
    %get3A_12 = arith.constant 0 : index
    %get3A_13 = vector.load %arg4[%get3A_11, %get3A_12] : memref<128x128xf32, #tpu.memory_space<vmem>>, vector<128x128xf32>
    %dot_general3A = arith.constant dense<0.000000e+00> : vector<1000x128xf32>
    %dot_general3A_14 = tpu.matmul %get3A_10, %get3A_13, %dot_general3A {dimension_numbers = #tpu.dot_dimension_numbers<[1], [0], [0], [1], [0, 0, 1, 1], [], []>, transpose_lhs_hint = false} : vector<1000x128xf32>, vector<128x128xf32>, vector<1000x128xf32> -> vector<1000x128xf32>
    %mul3A = vector.broadcast %rsqrt3A : vector<1000x1xf32> to vector<1000x128xf32>
    %mul3A_15 = arith.mulf %dot_general3A_14, %mul3A : vector<1000x128xf32>
    %swap3A = arith.constant 0 : index
    %swap3A_16 = arith.constant 0 : index
    %swap3A_17 = vector.load %arg5[%swap3A, %swap3A_16] : memref<1000x128xf32, #tpu.memory_space<vmem>>, vector<1000x128xf32>
    tpu.vector_store %arg5[%swap3A, %swap3A_16], %mul3A_15 {strides = array<i32>} : memref<1000x128xf32, #tpu.memory_space<vmem>>, vector<1000x128xf32>,
    %swap3A_18 = arith.constant 0 : index
    %swap3A_19 = arith.constant 0 : index
    %swap3A_20 = vector.load %arg6[%swap3A_18, %swap3A_19] : memref<1000x1xf32, #tpu.memory_space<vmem>>, vector<1000x1xf32>
    tpu.vector_store %arg6[%swap3A_18, %swap3A_19], %rsqrt3A {strides = array<i32>} : memref<1000x1xf32, #tpu.memory_space<vmem>>, vector<1000x1xf32>,
    return
  }
  func.func @transform_0(%arg0: i32) -> (i32, i32) {
    %c0_i32 = arith.constant 0 : i32
    %c0_i32_0 = arith.constant 0 : i32
    return %arg0, %c0_i32 : i32, i32
  }
  func.func @transform_1(%arg0: i32) -> (i32, i32) {
    %c0_i32 = arith.constant 0 : i32
    %c0_i32_0 = arith.constant 0 : i32
    return %arg0, %c0_i32 : i32, i32
  }
  func.func @transform_2(%arg0: i32) -> (i32, i32) {
    %c0_i32 = arith.constant 0 : i32
    %c0_i32_0 = arith.constant 0 : i32
    return %arg0, %c0_i32 : i32, i32
  }
  func.func @transform_3(%arg0: i32) -> (i32, i32) {
    %c0_i32 = arith.constant 0 : i32
    %c0_i32_0 = arith.constant 0 : i32
    %c0_i32_1 = arith.constant 0 : i32
    return %c0_i32, %c0_i32_0 : i32, i32
  }
  func.func @transform_4(%arg0: i32) -> (i32, i32) {
    %c0_i32 = arith.constant 0 : i32
    %c0_i32_0 = arith.constant 0 : i32
    return %arg0, %c0_i32 : i32, i32
  }
  func.func @transform_5(%arg0: i32) -> (i32, i32) {
    %c0_i32 = arith.constant 0 : i32
    %c0_i32_0 = arith.constant 0 : i32
    return %arg0, %c0_i32 : i32, i32
  }
}

module attributes {stable_mosaic.version = 14 : i64} {
  func.func @_tc2_body(%arg0: i32, %arg1: memref<1000x128xf32, #tpu.memory_space<vmem>>, %arg2: memref<1000x128xf32, #tpu.memory_space<vmem>>, %arg3: memref<1000x128xf32, #tpu.memory_space<vmem>>, %arg4: memref<1000x1xf32, #tpu.memory_space<vmem>>, %arg5: memref<1x128xf32, #tpu.memory_space<vmem>>, %arg6: memref<128x128xf32, #tpu.memory_space<vmem>>, %arg7: memref<1000x128xf32, #tpu.memory_space<vmem>>) attributes {dimension_semantics = [#tpu.dimension_semantics<arbitrary>], iteration_bounds = array<i64: 10>, scalar_prefetch = 0 : i64, scratch_operands = 0 : i64, tpu.core_type = #tpu.core_type<tc>, window_params = [{transform_indices = @transform_0, window_bounds = array<i64: 1000, 128>}, {transform_indices = @transform_1, window_bounds = array<i64: 1000, 128>}, {transform_indices = @transform_2, window_bounds = array<i64: 1000, 128>}, {transform_indices = @transform_3, window_bounds = array<i64: 1000, 1>}, {pipeline_mode = #tpu.pipeline_mode<synchronous>, transform_indices = @transform_4, window_bounds = array<i64: 1, 128>}, {pipeline_mode = #tpu.pipeline_mode<synchronous>, transform_indices = @transform_5, window_bounds = array<i64: 128, 128>}, {transform_indices = @transform_6, window_bounds = array<i64: 1000, 128>}]} {
    %get3A = arith.constant 0 : index
    %get3A_0 = arith.constant 0 : index
    %get3A_1 = vector.load %arg4[%get3A, %get3A_0] : memref<1000x1xf32, #tpu.memory_space<vmem>>, vector<1000x1xf32>
    %get3A_2 = arith.constant 0 : index
    %get3A_3 = arith.constant 0 : index
    %get3A_4 = vector.load %arg1[%get3A_2, %get3A_3] : memref<1000x128xf32, #tpu.memory_space<vmem>>, vector<1000x128xf32>
    %get3A_5 = arith.constant 0 : index
    %get3A_6 = arith.constant 0 : index
    %get3A_7 = vector.load %arg2[%get3A_5, %get3A_6] : memref<1000x128xf32, #tpu.memory_space<vmem>>, vector<1000x128xf32>
    %add3A = arith.addf %get3A_4, %get3A_7 : vector<1000x128xf32>
    %get3A_8 = arith.constant 0 : index
    %get3A_9 = arith.constant 0 : index
    %get3A_10 = vector.load %arg3[%get3A_8, %get3A_9] : memref<1000x128xf32, #tpu.memory_space<vmem>>, vector<1000x128xf32>
    %add3A_11 = arith.addf %add3A, %get3A_10 : vector<1000x128xf32>
    %mul3A = vector.broadcast %get3A_1 : vector<1000x1xf32> to vector<1000x128xf32>
    %mul3A_12 = arith.mulf %mul3A, %add3A_11 : vector<1000x128xf32>
    %get3A_13 = arith.constant 0 : index
    %get3A_14 = arith.constant 0 : index
    %get3A_15 = vector.load %arg5[%get3A_13, %get3A_14] : memref<1x128xf32, #tpu.memory_space<vmem>>, vector<1x128xf32>
    %add3A_16 = vector.broadcast %get3A_15 : vector<1x128xf32> to vector<1000x128xf32>
    %add3A_17 = arith.addf %mul3A_12, %add3A_16 : vector<1000x128xf32>
    %max3A = arith.constant 0.000000e+00 : f32
    %max3A_18 = vector.broadcast %max3A : f32 to vector<1000x128xf32>
    %max3A_19 = arith.maximumf %add3A_17, %max3A_18 : vector<1000x128xf32>
    %get3A_20 = arith.constant 0 : index
    %get3A_21 = arith.constant 0 : index
    %get3A_22 = vector.load %arg6[%get3A_20, %get3A_21] : memref<128x128xf32, #tpu.memory_space<vmem>>, vector<128x128xf32>
    %dot_general3A = arith.constant dense<0.000000e+00> : vector<1000x128xf32>
    %dot_general3A_23 = tpu.matmul %max3A_19, %get3A_22, %dot_general3A {dimension_numbers = #tpu.dot_dimension_numbers<[1], [0], [0], [1], [0, 0, 1, 1], [], []>, transpose_lhs_hint = false} : vector<1000x128xf32>, vector<128x128xf32>, vector<1000x128xf32> -> vector<1000x128xf32>
    %mul3A_24 = vector.broadcast %get3A_1 : vector<1000x1xf32> to vector<1000x128xf32>
    %mul3A_25 = arith.mulf %dot_general3A_23, %mul3A_24 : vector<1000x128xf32>
    %swap3A = arith.constant 0 : index
    %swap3A_26 = arith.constant 0 : index
    %swap3A_27 = vector.load %arg7[%swap3A, %swap3A_26] : memref<1000x128xf32, #tpu.memory_space<vmem>>, vector<1000x128xf32>
    tpu.vector_store %arg7[%swap3A, %swap3A_26], %mul3A_25 {strides = array<i32>} : memref<1000x128xf32, #tpu.memory_space<vmem>>, vector<1000x128xf32>,
    return
  }
  func.func @transform_0(%arg0: i32) -> (i32, i32) {
    %c0_i32 = arith.constant 0 : i32
    %c0_i32_0 = arith.constant 0 : i32
    return %arg0, %c0_i32 : i32, i32
  }
  func.func @transform_1(%arg0: i32) -> (i32, i32) {
    %c0_i32 = arith.constant 0 : i32
    %c0_i32_0 = arith.constant 0 : i32
    return %arg0, %c0_i32 : i32, i32
  }
  func.func @transform_2(%arg0: i32) -> (i32, i32) {
    %c0_i32 = arith.constant 0 : i32
    %c0_i32_0 = arith.constant 0 : i32
    return %arg0, %c0_i32 : i32, i32
  }
  func.func @transform_3(%arg0: i32) -> (i32, i32) {
    %c0_i32 = arith.constant 0 : i32
    %c0_i32_0 = arith.constant 0 : i32
    return %arg0, %c0_i32 : i32, i32
  }
  func.func @transform_4(%arg0: i32) -> (i32, i32) {
    %c0_i32 = arith.constant 0 : i32
    %c0_i32_0 = arith.constant 0 : i32
    %c0_i32_1 = arith.constant 0 : i32
    return %c0_i32, %c0_i32_0 : i32, i32
  }
  func.func @transform_5(%arg0: i32) -> (i32, i32) {
    %c0_i32 = arith.constant 0 : i32
    %c0_i32_0 = arith.constant 0 : i32
    %c0_i32_1 = arith.constant 0 : i32
    return %c0_i32, %c0_i32_0 : i32, i32
  }
  func.func @transform_6(%arg0: i32) -> (i32, i32) {
    %c0_i32 = arith.constant 0 : i32
    %c0_i32_0 = arith.constant 0 : i32
    return %arg0, %c0_i32 : i32, i32
  }
}

module attributes {stable_mosaic.version = 14 : i64} {
  func.func @_tc3_body(%arg0: i32, %arg1: memref<1000x128xf32, #tpu.memory_space<vmem>>, %arg2: memref<1000x128xf32, #tpu.memory_space<vmem>>, %arg3: memref<1000x128xf32, #tpu.memory_space<vmem>>, %arg4: memref<1000x1xf32, #tpu.memory_space<vmem>>, %arg5: memref<1x128xf32, #tpu.memory_space<vmem>>, %arg6: memref<1000x1xi32, #tpu.memory_space<vmem>>, %arg7: memref<1000x128xf32, #tpu.memory_space<vmem>>, %arg8: memref<128x128xf32, #tpu.memory_space<vmem>>) attributes {dimension_semantics = [#tpu.dimension_semantics<arbitrary>], iteration_bounds = array<i64: 10>, scalar_prefetch = 0 : i64, scratch_operands = 0 : i64, tpu.core_type = #tpu.core_type<tc>, window_params = [{transform_indices = @transform_0, window_bounds = array<i64: 1000, 128>}, {transform_indices = @transform_1, window_bounds = array<i64: 1000, 128>}, {transform_indices = @transform_2, window_bounds = array<i64: 1000, 128>}, {transform_indices = @transform_3, window_bounds = array<i64: 1000, 1>}, {pipeline_mode = #tpu.pipeline_mode<synchronous>, transform_indices = @transform_4, window_bounds = array<i64: 1, 128>}, {transform_indices = @transform_5, window_bounds = array<i64: 1000, 1>}, {transform_indices = @transform_6, window_bounds = array<i64: 1000, 128>}, {pipeline_mode = #tpu.pipeline_mode<synchronous>, transform_indices = @transform_7, window_bounds = array<i64: 128, 128>}]} {
    %get3A = arith.constant 0 : index
    %get3A_0 = arith.constant 0 : index
    %get3A_1 = vector.load %arg4[%get3A, %get3A_0] : memref<1000x1xf32, #tpu.memory_space<vmem>>, vector<1000x1xf32>
    %get3A_2 = arith.constant 0 : index
    %get3A_3 = arith.constant 0 : index
    %get3A_4 = vector.load %arg1[%get3A_2, %get3A_3] : memref<1000x128xf32, #tpu.memory_space<vmem>>, vector<1000x128xf32>
    %get3A_5 = arith.constant 0 : index
    %get3A_6 = arith.constant 0 : index
    %get3A_7 = vector.load %arg2[%get3A_5, %get3A_6] : memref<1000x128xf32, #tpu.memory_space<vmem>>, vector<1000x128xf32>
    %add3A = arith.addf %get3A_4, %get3A_7 : vector<1000x128xf32>
    %get3A_8 = arith.constant 0 : index
    %get3A_9 = arith.constant 0 : index
    %get3A_10 = vector.load %arg3[%get3A_8, %get3A_9] : memref<1000x128xf32, #tpu.memory_space<vmem>>, vector<1000x128xf32>
    %add3A_11 = arith.addf %add3A, %get3A_10 : vector<1000x128xf32>
    %mul3A = vector.broadcast %get3A_1 : vector<1000x1xf32> to vector<1000x128xf32>
    %mul3A_12 = arith.mulf %mul3A, %add3A_11 : vector<1000x128xf32>
    %get3A_13 = arith.constant 0 : index
    %get3A_14 = arith.constant 0 : index
    %get3A_15 = vector.load %arg5[%get3A_13, %get3A_14] : memref<1x128xf32, #tpu.memory_space<vmem>>, vector<1x128xf32>
    %add3A_16 = vector.broadcast %get3A_15 : vector<1x128xf32> to vector<1000x128xf32>
    %add3A_17 = arith.addf %mul3A_12, %add3A_16 : vector<1000x128xf32>
    %swap3A = arith.constant 0 : index
    %swap3A_18 = arith.constant 0 : index
    %swap3A_19 = vector.load %arg7[%swap3A, %swap3A_18] : memref<1000x128xf32, #tpu.memory_space<vmem>>, vector<1000x128xf32>
    tpu.vector_store %arg7[%swap3A, %swap3A_18], %add3A_17 {strides = array<i32>} : memref<1000x128xf32, #tpu.memory_space<vmem>>, vector<1000x128xf32>,
    %iota3A = tpu.iota {dimensions = array<i32: 1>} : vector<1000x128xi32>
    %get3A_20 = arith.constant 0 : index
    %get3A_21 = arith.constant 0 : index
    %get3A_22 = vector.load %arg6[%get3A_20, %get3A_21] : memref<1000x1xi32, #tpu.memory_space<vmem>>, vector<1000x1xi32>
    %eq3A = vector.broadcast %get3A_22 : vector<1000x1xi32> to vector<1000x128xi32>
    %eq3A_23 = arith.cmpi eq, %eq3A, %iota3A : vector<1000x128xi32>
    %convert_element_type3A = arith.extui %eq3A_23 : vector<1000x128xi1> to vector<1000x128xi32>
    %convert_element_type3A_24 = arith.sitofp %convert_element_type3A : vector<1000x128xi32> to vector<1000x128xf32>
    %dot_general3A = arith.constant dense<0.000000e+00> : vector<128x128xf32>
    %dot_general3A_25 = tpu.matmul %convert_element_type3A_24, %add3A_17, %dot_general3A {dimension_numbers = #tpu.dot_dimension_numbers<[0], [0], [1], [1], [0, 1, 1, 1], [], []>, transpose_lhs_hint = false} : vector<1000x128xf32>, vector<1000x128xf32>, vector<128x128xf32> -> vector<128x128xf32>
    %eq3A_26 = arith.constant 0 : i32
    %eq3A_27 = arith.cmpi eq, %arg0, %eq3A_26 : i32
    %convert_element_type3A_28 = arith.extui %eq3A_27 : i1 to i32
    %cond3A = arith.constant 0 : i32
    %cond3A_29 = arith.cmpi ne, %convert_element_type3A_28, %cond3A : i32
    scf.if %cond3A_29 {
      %swap3A_34 = arith.constant 0 : index
      %swap3A_35 = arith.constant 0 : index
      %swap3A_36 = vector.load %arg8[%swap3A_34, %swap3A_35] : memref<128x128xf32, #tpu.memory_space<vmem>>, vector<128x128xf32>
      tpu.vector_store %arg8[%swap3A_34, %swap3A_35], %dot_general3A_25 {strides = array<i32>} : memref<128x128xf32, #tpu.memory_space<vmem>>, vector<128x128xf32>,
    } else {
    }
    %ne3A = arith.constant 0 : i32
    %ne3A_30 = arith.cmpi ne, %arg0, %ne3A : i32
    %convert_element_type3A_31 = arith.extui %ne3A_30 : i1 to i32
    %cond3A_32 = arith.constant 0 : i32
    %cond3A_33 = arith.cmpi ne, %convert_element_type3A_31, %cond3A_32 : i32
    scf.if %cond3A_33 {
      %get3A_34 = arith.constant 0 : index
      %get3A_35 = arith.constant 0 : index
      %get3A_36 = vector.load %arg8[%get3A_34, %get3A_35] : memref<128x128xf32, #tpu.memory_space<vmem>>, vector<128x128xf32>
      %add3A_37 = arith.addf %get3A_36, %dot_general3A_25 : vector<128x128xf32>
      %swap3A_38 = arith.constant 0 : index
      %swap3A_39 = arith.constant 0 : index
      %swap3A_40 = vector.load %arg8[%swap3A_38, %swap3A_39] : memref<128x128xf32, #tpu.memory_space<vmem>>, vector<128x128xf32>
      tpu.vector_store %arg8[%swap3A_38, %swap3A_39], %add3A_37 {strides = array<i32>} : memref<128x128xf32, #tpu.memory_space<vmem>>, vector<128x128xf32>,
    } else {
    }
    return
  }
  func.func @transform_0(%arg0: i32) -> (i32, i32) {
    %c0_i32 = arith.constant 0 : i32
    %c0_i32_0 = arith.constant 0 : i32
    return %arg0, %c0_i32 : i32, i32
  }
  func.func @transform_1(%arg0: i32) -> (i32, i32) {
    %c0_i32 = arith.constant 0 : i32
    %c0_i32_0 = arith.constant 0 : i32
    return %arg0, %c0_i32 : i32, i32
  }
  func.func @transform_2(%arg0: i32) -> (i32, i32) {
    %c0_i32 = arith.constant 0 : i32
    %c0_i32_0 = arith.constant 0 : i32
    return %arg0, %c0_i32 : i32, i32
  }
  func.func @transform_3(%arg0: i32) -> (i32, i32) {
    %c0_i32 = arith.constant 0 : i32
    %c0_i32_0 = arith.constant 0 : i32
    return %arg0, %c0_i32 : i32, i32
  }
  func.func @transform_4(%arg0: i32) -> (i32, i32) {
    %c0_i32 = arith.constant 0 : i32
    %c0_i32_0 = arith.constant 0 : i32
    %c0_i32_1 = arith.constant 0 : i32
    return %c0_i32, %c0_i32_0 : i32, i32
  }
  func.func @transform_5(%arg0: i32) -> (i32, i32) {
    %c0_i32 = arith.constant 0 : i32
    %c0_i32_0 = arith.constant 0 : i32
    return %arg0, %c0_i32 : i32, i32
  }
  func.func @transform_6(%arg0: i32) -> (i32, i32) {
    %c0_i32 = arith.constant 0 : i32
    %c0_i32_0 = arith.constant 0 : i32
    return %arg0, %c0_i32 : i32, i32
  }
  func.func @transform_7(%arg0: i32) -> (i32, i32) {
    %c0_i32 = arith.constant 0 : i32
    %c0_i32_0 = arith.constant 0 : i32
    %c0_i32_1 = arith.constant 0 : i32
    return %c0_i32, %c0_i32_0 : i32, i32
  }
}

</mosaic_0001>

<sc_bundles>
// kernel: kernel.11.cloned.1.call-start
scs
__scs_entry_jumppad:
0x0: {  	(pc) =	sbr.rel $0x88, $3  }
0x1: {  	(tag) =	ssettag $0x0;
	lr =	simm.s32 $0x1  }
0x2: {  	[smem:$0x3F9A] =	sst lr;
	_ =	strace $0xD0000000  }
0x3: {  	_ = 	snop  }
0x4: {  	_ = 	snop  }
0x5: {  	_ = 	snop  }
0x6: {  	_ = 	snop  }
0x7: {  	_ = 	snop  }
__scs_overlays_trampoline_lowered:
0x8: {  	[smem:$0x3FA9] =	sst s0  }
0x9: {  	[smem:$0x3FAA] =	sst s1  }
0xa: {  	[smem:$0x3FAB] =	sst s2  }
0xb: {  	[smem:$0x3FAC] =	sst s3  }
0xc: {  	[smem:$0x3FAD] =	sst s4  }
0xd: {  	[smem:$0x3FAE] =	sst s5  }
0xe: {  	[smem:$0x3FAF] =	sst s6  }
0xf: {  	[smem:$0x3FB0] =	sst s7  }
0x10: {  	[smem:$0x3FB1] =	sst s8  }
0x11: {  	[smem:$0x3FB2] =	sst s9;
	s0 =	simm.s32 @!p0 $0x0  }
0x12: {  	s1 =	sld [smem:$0x3F98];
	s0 =	simm.s32 @p0 $0x1  }
0x13: {  	[smem:$0x3FB3] =	sst s0;
	s0 =	simm.s32 @!p1 $0x0  }
0x14: {  	s2 =	sld [smem:$0x3F97];
	s0 =	simm.s32 @p1 $0x1  }
0x15: {  	[smem:$0x3FB4] =	sst s0;
	s0 =	simm.s32 @!p2 $0x0  }
0x16: {  	s3 =	sld [smem:$0x3FDB];
	s0 =	simm.s32 @p2 $0x1  }
0x17: {  	s4 =	simm.s32 $0x1BF5;
	[smem:$0x3FB6] =	sst s0  }
0x18: {  	s0 =	sld [smem:$0x3F99];
	_ =	swait.ge [sflag:s4], $0x0  }
0x19: {  	s7 =	sld [smem:$0x3F9A]  }
0x1a: {  	s8 =	sadd.s32 $0xFFFFE003, lr  }
0x1b: {  	s9 =	sadd.s32 $0xFFFFFEF7, lr;
	s5 =	simm.s32 $0xFFFFFFFF;
	p2 =	slt.u32 s8, $0xFFFFF086  }
0x1c: {  	p1 =	slt.u32 s9, $0xF7A;
	s5 =	simm.s32 @!p2 $0x0  }
0x1d: {  	s5 =	simm.s32 @p1 $0x1;
	p0 =	seq.s32 s7, s2  }
0x1e: {  	s7 =	smul.u32 @!p0 $0xF7A, s2;
	p2 =	seq.s32 @!p0 s5, $0x0  }
0x1f: {  	s9 =	smul.u32 $0xF7A, s1;
	s8 =	simm.s32 @!p0 $0x1BF5;
	p2 =	por !p2, p0  }
0x20: {  	[sflag:s8] =	ssyncset.s32 @!p0 $0xFFFFF086;
	s6 =	sadd.s32 @!p0 s3, s7;
	s7 =	simm.s32 @!p0 $0x108  }
0x21: {  	s3 =	sadd.s32 s3, s9;
	s6 =	sadd.s32 @!p0 $0x88, s6;
	s7 =	simm.s32 @p2 $0x1082  }
0x22: {  	[simem:s7], [sflag:s8] =	dma.local @!p0 [hbm:s6], $0xF7A  }
0x23: {  	s9 =	sor.u32 $0xD0000000, s2;
	s6 =	simm.s32 $0x108;
	_ =	swait.ge @!p0 [sflag:s8], $0x0  }
0x24: {  	s3 =	sadd.s32 $0x88, s3;
	s6 =	simm.s32 @!p1 $0x1082;
	[sflag:s4] =	ssyncset.s32 $0xFFFFF086  }
0x25: {  	[simem:s6], [sflag:s4] =	dma.local [hbm:s3], $0xF7A  }
0x26: {  	[smem:$0x3F9A] =	sst s1;
	(tag) =	ssettag s2;
	_ =	strace s9  }
0x27: {  	s1 =	sld [smem:$0x3FAA]  }
0x28: {  	s2 =	sld [smem:$0x3FAB]  }
0x29: {  	s4 =	sld [smem:$0x3FAD]  }
0x2a: {  	p0 =	seq.s32 s5, $0x0;
	s5 =	sld [smem:$0x3FAE]  }
0x2b: {  	s6 =	sld [smem:$0x3FAF]  }
0x2c: {  	s7 =	sld [smem:$0x3FB0]  }
0x2d: {  	s3 =	simm.s32 $0x108;
	s8 =	sld [smem:$0x3FB1]  }
0x2e: {  	s3 =	simm.s32 @!p0 $0x1082;
	s9 =	sld [smem:$0x3FB2]  }
0x2f: {  	lr =	sadd.s32 s0, s3;
	s0 =	sld [smem:$0x3FA9]  }
0x30: {  	s3 =	sld [smem:$0x3FAC]  }
0x31: {  	[smem:$0x3FB5] =	sst s10  }
0x32: {  	s10 =	sld [smem:$0x3FB3];
	_ =	sdelay $0x3  }
0x33: {  	p0 =	seq.s32 s10, $0x1;
	s10 =	sld [smem:$0x3FB5];
	_ =	sdelay $0x3  }
0x34: {  	[smem:$0x3FB5] =	sst s10  }
0x35: {  	s10 =	sld [smem:$0x3FB4];
	_ =	sdelay $0x3  }
0x36: {  	p1 =	seq.s32 s10, $0x1;
	s10 =	sld [smem:$0x3FB5];
	_ =	sdelay $0x3  }
0x37: {  	[smem:$0x3FB5] =	sst s10  }
0x38: {  	s10 =	sld [smem:$0x3FB6]  }
0x39: {  	_ = 	snop;
	(pc) =	sbr.ind lr, $3  }
0x3a: {  	_ = 	snop  }
0x3b: {  	_ = 	snop  }
0x3c: {  	p2 =	seq.s32 s10, $0x1;
	s10 =	sld [smem:$0x3FB5]  }
0x3d: {  	_ =	shalt  }
0x3e: {  	_ =	shalt  }
0x3f: {  	_ =	shalt  }
0x40: {  	_ =	shalt  }
0x41: {  	_ =	shalt  }
0x42: {  	_ =	shalt  }
0x43: {  	_ =	shalt  }
0x44: {  	_ =	shalt  }
0x45: {  	_ =	shalt  }
0x46: {  	_ =	shalt  }
0x47: {  	_ =	shalt  }
0x48: {  	_ =	shalt  }
0x49: {  	_ =	shalt  }
0x4a: {  	_ =	shalt  }
0x4b: {  	_ =	shalt  }
0x4c: {  	_ =	shalt  }
0x4d: {  	_ =	shalt  }
0x4e: {  	_ =	shalt  }
0x4f: {  	_ =	shalt  }
0x50: {  	_ =	shalt  }
0x51: {  	_ =	shalt  }
0x52: {  	_ =	shalt  }
0x53: {  	_ =	shalt  }
0x54: {  	_ =	shalt  }
0x55: {  	_ =	shalt  }
0x56: {  	_ =	shalt  }
0x57: {  	_ =	shalt  }
0x58: {  	_ =	shalt  }
0x59: {  	_ =	shalt  }
0x5a: {  	_ =	shalt  }
0x5b: {  	_ =	shalt  }
0x5c: {  	_ =	shalt  }
0x5d: {  	_ =	shalt  }
0x5e: {  	_ =	shalt  }
0x5f: {  	_ =	shalt  }
0x60: {  	_ =	shalt  }
0x61: {  	_ =	shalt  }
0x62: {  	_ =	shalt  }
0x63: {  	_ =	shalt  }
0x64: {  	_ =	shalt  }
0x65: {  	_ =	shalt  }
0x66: {  	_ =	shalt  }
0x67: {  	_ =	shalt  }
0x68: {  	_ =	shalt  }
0x69: {  	_ =	shalt  }
0x6a: {  	_ =	shalt  }
0x6b: {  	_ =	shalt  }
0x6c: {  	_ =	shalt  }
0x6d: {  	_ =	shalt  }
0x6e: {  	_ =	shalt  }
0x6f: {  	_ =	shalt  }
0x70: {  	_ =	shalt  }
0x71: {  	_ =	shalt  }
0x72: {  	_ =	shalt  }
0x73: {  	_ =	shalt  }
0x74: {  	_ =	shalt  }
0x75: {  	_ =	shalt  }
0x76: {  	_ =	shalt  }
0x77: {  	_ =	shalt  }
0x78: {  	_ =	shalt  }
0x79: {  	_ =	shalt  }
0x7a: {  	_ =	shalt  }
0x7b: {  	_ =	shalt  }
0x7c: {  	_ =	shalt  }
0x7d: {  	_ =	shalt  }
0x7e: {  	_ =	shalt  }
0x7f: {  	_ =	shalt  }
0x80: {  	_ =	shalt  }
0x81: {  	_ =	shalt  }
0x82: {  	_ =	shalt  }
0x83: {  	_ =	shalt  }
0x84: {  	_ =	shalt  }
0x85: {  	_ =	shalt  }
0x86: {  	_ =	shalt  }
0x87: {  	_ =	shalt  }
.Lfunc_end0:
.L_simem_size_0:
called_computation.1_lowered:
.L_overlay_start_0:
0x88: {  	s2 =	sld [smem:$0x3FD9]  }
0x89: {  	s3 =	sld [smem:$0x3FFE];
	_ =	sdelay $0x1  }
0x8a: {  	s1 =	srdreg.scid  }
0x8b: {  	s0 =	sand.u32 $0x1, s1  }
0x8c: {  	s14 =	sshll.u32 s0, $0xA;
	s2 =	sadd.s32 s3, s2  }
0x8d: {  	s2 =	sadd.s32 s2, s14  }
0x8e: {  	[smem:$0x3FC1] =	sst s2  }
0x8f: {  	_ = 	snop  }
0x90: {  	s2 =	sld [smem:$0x3FD0];
	_ =	sdelay $0x2  }
0x91: {  	s15 =	simm.s32 $0xA;
	s4 =	simm.s32 $0x10  }
0x92: {  	[smem:s4], [sflag:s15] =	dma.local [hbm:s2], $0x1  }
0x93: {  	_ =	swait.eq [sflag:s15], $0x1  }
0x94: {  	[sflag:s15] =	ssyncset.done $0x0  }
0x95: {  	[sflag:s15] =	ssyncadd.s32 $0xFFFFFFFF  }
0x96: {  	s16 =	sld [smem:$0x11];
	(tm) =	ssettm $0x1  }
0x97: {  	s17 =	sld [smem:$0x3FFB];
	_ =	sdelay $0x3  }
0x98: {  	_ =	strace s17  }
0x99: {  	s3 =	sld [smem:$0x3FFC];
	_ =	sdelay $0x3  }
0x9a: {  	_ =	strace s3  }
0x9b: {  	s3 =	sld [smem:$0x3FFD];
	_ =	sdelay $0x3  }
0x9c: {  	_ =	strace s3  }
0x9d: {  	_ =	strace $0x8FFFFFFF  }
0x9e: {  	s18 =	sld [smem:$0x3FDB];
	_ =	sdelay $0x1  }
0x9f: {  	s19 =	simm.s32 $_scs_section_size  }
0xa0: {  	s5 =	simm.s32 $_size__tile_overlayer_lowered;
	s6 =	simm.s32 $_tile_overlayer_lowered  }
0xa1: {  	s22 =	simm.s32 $0x1BFF;
	s21 =	sshll.u32 s6, $0x1;
	s3 =	sadd.s32 s19, s18  }
0xa2: {  	s7 =	simm.s32 $0x0;
	s20 =	sshll.u32 s5, $0x1;
	s5 =	sadd.s32 s21, s3  }
0xa3: {  	[timem:s7], [sflag:s22] =	dma.local [hbm:s5], s20  }
0xa4: {  	_ =	swait.ge [sflag:s22], s20  }
0xa5: {  	s4 =	ssub.s32 $0x0, s20;
	[sflag:s22] =	ssyncset.done $0x0  }
0xa6: {  	[sflag:s22] =	ssyncadd.s32 s4;
	_ =	sdelay $0x1  }
0xa7: {  	s23 =	simm.s32 $0x1B8B  }
0xa8: {  	_ =	swait.ge [sflag:s23], $0x1  }
0xa9: {  	[sflag:s23] =	ssyncset.done $0x0  }
0xaa: {  	s25 =	simm.s32 $0x1B8E;
	s24 =	sld [smem:$0x3FFE];
	[sflag:s23] =	ssyncadd.s32 $0xFFFFFFFF  }
0xab: {  	s26 =	simm.s32 $execute0_lowered;
	[smem:$0x3FD2] =	sst s25  }
0xac: {  	s5 =	sshll.u32 s26, $0x1;
	_ =	strace $0x80000049;
	[dreg:$0x1] =	wrdreg $0xFFFFFFFF  }
0xad: {  	s28 =	simm.s32 $_size_execute0_lowered;
	s3 =	sadd.s32 s3, s5;
	[dreg:$0x0] =	wrdreg $0x0  }
0xae: {  	s5 =	sshll.u32 s28, $0x1;
	[dreg:$0x2] =	wrdreg s3  }
0xaf: {  	[dreg:$0x3] =	wrdreg s5  }
0xb0: {  	[dreg:$0x4] =	wrdreg $0xC0  }
0xb1: {  	_ =	task [dreg:s7], $0x5FFFF  }
0xb2: {  	[dreg:$0x1] =	wrdreg $0xFFFFFFFF  }
0xb3: {  	[dreg:$0x0] =	wrdreg $0x60  }
0xb4: {  	[dreg:$0x2] =	wrdreg s16  }
0xb5: {  	[dreg:$0x3] =	wrdreg s24  }
0xb6: {  	[dreg:$0x4] =	wrdreg $0x90000  }
0xb7: {  	[dreg:$0x5] =	wrdreg $0x9  }
0xb8: {  	_ =	task.clear_ibuf [dreg:s7], $0x6FFFF;
	_ =	strace $0x90000049  }
0xb9: {  	s29 =	simm.s32 $0x9;
	_ =	strace $0x8000004B  }
0xba: {  	_ =	swait.ge [sflag:s29], $0x1  }
0xbb: {  	[sflag:s29] =	ssyncadd.s32 $0xFFFFFFFF  }
0xbc: {  	_ =	strace $0x9000004B  }
0xbd: {  	_ =	sfence  }
0xbe: {  	s30 =	sld [smem:$0x0];
	_ =	sdelay $0x2  }
0xbf: {  	s31 =	sshll.u32 s1, $0xD;
	s1 =	sshrl.u32 s1, $0x2  }
0xc0: {  	s3 =	sand.u32 $0x4000, s31;
	s1 =	sadd.s32 s1, s30  }
0xc1: {  	s0 =	sor.u32 s3, s0;
	s1 =	sshll.u32 s1, $0x11  }
0xc2: {  	s0 =	sor.u32 s1, s0  }
0xc3: {  	s0 =	sadd.s32 $0x8F2B, s0  }
0xc4: {  	[sflag:s0] =	ssyncadd.remote.s32 $0x1  }
0xc5: {  	_ =	sfence.sel $0xFFFF  }
0xc6: {  	[dreg:$0x0] =	wrdreg $0xFFFFFFFF;
	(pc) =	sbr.abs _section_cstart, $3  }
0xc7: {  	[dreg:$0x1] =	wrdreg $0xFFFFFFFF  }
0xc8: {  	_ =	task.clear_ibuf [dreg:s7], $0x2FFFF;
	_ =	strace $0x9FFFFFFF  }
0xc9: {  	(tm) =	ssettm $0x7FFFFFFF  }
tec
execute0_lowered:
.L_overlay_start_1:
0x0: {  	(tag) =	ssettag $0x1  }
0x1: {  	s2 =	rddreg [dreg:$0x0]  }
0x2: {  	s6 =	rddreg [dreg:$0x1]  }
0x3: {  	s0 =	srdreg.scid;
	s3 =	rddreg [dreg:$0x2];
	s4 =	simm.s32 $0x0  }
0x4: {  	s14 =	simm.s32 $0x5000;
	s15 =	simm.s32 $0x2;
	s5 =	sand.u32 $0x1, s0  }
0x5: {  	s16 =	simm.s32 $0x2800;
	s0 =	stileid.u32;
	s8 =	smul.u32 $0x140000, s5  }
0x6: {  	s17 =	simm.s32 $0x80;
	s18 =	simm.s32 $0x1;
	s9 =	smul.u32 $0x14000, s0  }
0x7: {  	[smem:$0x7FF] =	sst s4;
	s1 =	sshll.u32 s5, $0x4;
	s10 =	smul.u32 $0x50000, s0  }
0x8: {  	s29 =	ssub.s32 $0x2, s5;
	s19 =	sshll.u32 s0, $0x6;
	s1 =	sor.u32 s0, s1  }
0x9: {  	s31 =	sshrl.u32 s29, $0x1;
	s19 =	sor.u32 $0x1C02, s19;
	s7 =	smul.u32 $0x500, s1  }
0xa: {  	s1 =	rddreg [dreg:$0x3];
	_ =	strace $0x8000004A;
	s30 =	sshrl.u32 s10, $0x2  }
0xb: {  	s28 =	sadd.s32 s9, s8;
	s13 =	ssub.s32 s29, s31;
	s5 =	sadd.s32 s30, s3  }
0xc: {  	s13 =	smax.u32 s13, $0x1;
	s11 =	sadd.s32 s7, s6;
	s7 =	sshrl.u32 s28, $0x3  }
0xd: {  	s8 =	sadd.s32 $0xC000, s5;
	s9 =	sadd.s32 $0x10000, s5;
	s20 =	sshrl.u32 s5, $0x3  }
0xe: {  	s12 =	sadd.s32 s7, s6;
	s6 =	sadd.s32 $0x4000, s5;
	s7 =	sadd.s32 $0x8000, s5  }
0xf: {  	v0 =	vimm.f32 $0.0e+00;
	s10 =	sadd.s32 $0xDE00, s11;
	s11 =	sadd.s32 $0x3E00, s11;
	s12 =	sadd.s32 $0x3F000, s12  }
.LBB2_1:
0x10: {  	s21 =	simm.s32 $0x0;
	s22 =	simm.s32 $0x200  }
.LBB2_2:
0x11: {  	p0 =	sne.s32 s22, $0xFE00;
	[tilespmem:s21+$0x5070] =	vst v0  }
0x12: {  	[tilespmem:s21+$0x5000] =	vst v0  }
0x13: {  	[tilespmem:s21+$0x5010] =	vst v0  }
.Ltmp0:
0x14: {  	[tilespmem:s21+$0x5020] =	vst v0;
	(pc) =	sbr.rel @p0 .LBB2_2-.Ltmp0, $4  }
0x15: {  	[tilespmem:s21+$0x5030] =	vst v0  }
0x16: {  	[tilespmem:s21+$0x5040] =	vst v0  }
0x17: {  	[tilespmem:s21+$0x5050] =	vst v0  }
0x18: {  	[tilespmem:s21+$0x5060] =	vst v0;
	s21 =	sshra.s32 s22, $0x2;
	s22 =	sadd.s32 $0x200, s22  }
0x19: {  	[tilespmem:s21+$0x5070] =	vst v0  }
0x1a: {  	[tilespmem:s21+$0x5000] =	vst v0  }
0x1b: {  	[tilespmem:s21+$0x5010] =	vst v0  }
0x1c: {  	[tilespmem:s21+$0x5020] =	vst v0  }
0x1d: {  	[tilespmem:s21+$0x5030] =	vst v0  }
0x1e: {  	[tilespmem:s21+$0x5040] =	vst v0  }
0x1f: {  	[tilespmem:s21+$0x5050] =	vst v0  }
0x20: {  	[tilespmem:s21+$0x5060] =	vst v0  }
0x21: {  	[spmem:s5] =	stream.linear.scatter [tilespmem:s14], [sflag:$0x2], $0x4000, $0x38;
	[tilespmem:$0x1D000] =	vst v63  }
0x22: {  	_ =	swait.ge [sflag:s15], $0x4000  }
0x23: {  	[sflag:s15] =	ssyncset.done $0x0  }
0x24: {  	[sflag:s15] =	ssyncadd.s32 $0xFFFFC000  }
0x25: {  	[spmem:s6] =	stream.linear.scatter [tilespmem:s14], [sflag:$0x2], $0x4000, $0x38;
	[tilespmem:$0x1D000] =	vst v63  }
0x26: {  	_ =	swait.ge [sflag:s15], $0x4000  }
0x27: {  	[sflag:s15] =	ssyncset.done $0x0  }
0x28: {  	[sflag:s15] =	ssyncadd.s32 $0xFFFFC000  }
0x29: {  	[spmem:s7] =	stream.linear.scatter [tilespmem:s14], [sflag:$0x2], $0x4000, $0x38;
	[tilespmem:$0x1D000] =	vst v63  }
0x2a: {  	_ =	swait.ge [sflag:s15], $0x4000  }
0x2b: {  	[sflag:s15] =	ssyncset.done $0x0  }
0x2c: {  	[sflag:s15] =	ssyncadd.s32 $0xFFFFC000  }
0x2d: {  	[spmem:s8] =	stream.linear.scatter [tilespmem:s14], [sflag:$0x2], $0x4000, $0x38;
	[tilespmem:$0x1D000] =	vst v63  }
0x2e: {  	_ =	swait.ge [sflag:s15], $0x4000  }
0x2f: {  	[sflag:s15] =	ssyncset.done $0x0  }
0x30: {  	[sflag:s15] =	ssyncadd.s32 $0xFFFFC000  }
0x31: {  	[spmem:s9] =	stream.linear.scatter [tilespmem:s14], [sflag:$0x2], $0x4000, $0x38;
	[tilespmem:$0x1D000] =	vst v63  }
0x32: {  	_ =	swait.ge [sflag:s15], $0x4000  }
0x33: {  	[sflag:s15] =	ssyncset.done $0x0  }
0x34: {  	[sflag:s15] =	ssyncadd.s32 $0xFFFFC000  }
0x35: {  	s29 =	simm.s32 $0x0;
	[bflag:$0x0] =	sbarrier.arrive $0xFFFF  }
0x36: {  	[tilespmem:s29], [sflag:$0x2] =	stream.linear.gather [hbm4b:s10+s29], $0x2780, $0x38;
	[tilespmem:$0x1D000] =	vst v63  }
0x37: {  	_ =	swait.ge [sflag:s15], $0x2780  }
0x38: {  	[sflag:s15] =	ssyncset.done $0x0  }
0x39: {  	[sflag:s15] =	ssyncadd.s32 $0xFFFFD880  }
0x3a: {  	[tilespmem:s16], [sflag:$0x2] =	stream.linear.gather [hbm4b:s11+s29], $0x2780, $0x38;
	[tilespmem:$0x1D000] =	vst v63  }
0x3b: {  	_ =	swait.ge [sflag:s15], $0x2780  }
0x3c: {  	[sflag:s15] =	ssyncset.done $0x0  }
0x3d: {  	s30 =	simm.s32 $0x0;
	[sflag:s15] =	ssyncadd.s32 $0xFFFFD880  }
0x3e: {  	[tilespmem:s14], [sflag:$0x1] =	stream.indirect.gather [hbm4b:s2+s17], $0x80, s30, s17, $0xb8;
	[tilespmem:$0x1D000] =	vst v63  }
0x3f: {  	_ =	swait.ge [sflag:s18], $0x4000  }
0x40: {  	[sflag:s18] =	ssyncset.done $0x0  }
0x41: {  	s31 =	simm.s32 $0x2800;
	[sflag:s18] =	ssyncadd.s32 $0xFFFFC000  }
0x42: {  	[spmem:s3] =	stream.indirect.scatter.add.f32 [tilespmem:s14], [sflag:$0x2], $0x80, s31, s17, $0xb8;
	[tilespmem:$0x1D000] =	vst v63  }
0x43: {  	_ =	swait.ge [sflag:s15], $0x4000  }
0x44: {  	s21 =	simm.s32 $0x200;
	s22 =	simm.s32 $0x400;
	[sflag:s15] =	ssyncset.done $0x0  }
.LBB2_4:
0x45: {  	s23 =	sshra.s32 s21, $0x2  }
0x46: {  	[sflag:s15] =	ssyncadd.s32 $0xFFFFC000;
	s21 =	smov.u32 s22;
	s24 =	sadd.s32 $0x200, s22  }
0x47: {  	[tilespmem:s14], [sflag:$0x1] =	stream.indirect.gather [hbm4b:s2+s17], $0x80, s23, s17, $0xb8;
	[tilespmem:$0x1D000] =	vst v63  }
0x48: {  	p0 =	sne.s32 s22, $0x9C00;
	_ =	swait.ge [sflag:s18], $0x4000  }
.Ltmp1:
0x49: {  	[sflag:s18] =	ssyncset.done $0x0;
	(pc) =	sbr.rel @p0 .LBB2_4-.Ltmp1, $4  }
0x4a: {  	s22 =	sadd.s32 $0x2800, s23;
	[sflag:s18] =	ssyncadd.s32 $0xFFFFC000  }
0x4b: {  	[spmem:s3] =	stream.indirect.scatter.add.f32 [tilespmem:s14], [sflag:$0x2], $0x80, s22, s17, $0xb8;
	[tilespmem:$0x1D000] =	vst v63  }
0x4c: {  	_ =	swait.ge [sflag:s15], $0x4000  }
0x4d: {  	s22 =	smov.u32 s24;
	[sflag:s15] =	ssyncset.done $0x0  }
0x4e: {  	s21 =	sshra.s32 s21, $0x2;
	[sflag:s15] =	ssyncadd.s32 $0xFFFFC000  }
0x4f: {  	[tilespmem:s14], [sflag:$0x1] =	stream.indirect.gather [hbm4b:s2+s17], $0x80, s21, s17, $0xb8;
	[tilespmem:$0x1D000] =	vst v63  }
0x50: {  	_ =	swait.ge [sflag:s18], $0x4000  }
0x51: {  	[sflag:s18] =	ssyncset.done $0x0  }
0x52: {  	s21 =	sadd.s32 $0x2800, s21;
	[sflag:s18] =	ssyncadd.s32 $0xFFFFC000  }
0x53: {  	[spmem:s3] =	stream.indirect.scatter.add.f32 [tilespmem:s14], [sflag:$0x2], $0x80, s21, s17, $0xb8;
	[tilespmem:$0x1D000] =	vst v63  }
0x54: {  	_ =	swait.ge [sflag:s15], $0x4000  }
0x55: {  	s4 =	sadd.s32 $0x1, s4;
	[sflag:s15] =	ssyncset.done $0x0  }
0x56: {  	p0 =	sne.s32 s4, s13;
	[sflag:s15] =	ssyncadd.s32 $0xFFFFC000  }
.Ltmp2:
0x57: {  	[bflag:$0x0] =	sbarrier.arrive $0xFFFF;
	(pc) =	sbr.rel @p0 .LBB2_1-.Ltmp2, $4  }
0x58: {  	[hbm:s12], [sflag:s19] =	dma.local [spmem:s20], $0x2800  }
0x59: {  	_ =	swait.ge [sflag:s15], $0x2800  }
0x5a: {  	[sflag:s15] =	ssyncset.done $0x0  }
0x5b: {  	[sflag:s15] =	ssyncadd.s32 $0xFFFFD800  }
0x5c: {  	_ =	sfence.sel $0x180000  }
0x5d: {  	[bflag:$0x0] =	sbarrier.arrive $0xFFFF  }
0x5e: {  	p0 =	sne.s32 s0, $0x0;
	_ =	strace $0x9000004A  }
0x5f: {  	s0 =	sadd.s32 @!p0 $0x100000, s1;
	[bflag:$0x2] =	sbarrier.arrive $0xFFFF  }
0x60: {  	[sflag:s0] =	ssyncadd.tile.s32 @!p0 $0x1;
	_ =	shalt  }
.Lfunc_end2:
_tile_overlayer_lowered:
.L_overlay_start_2:
0x61: {  	(tag) =	ssettag $0x2  }
0x62: {  	s0 =	rddreg [dreg:$0x0];
	s2 =	stileid.u32  }
0x63: {  	s1 =	rddreg [dreg:$0x1];
	p0 =	sne.s32 s2, $0x0  }
0x64: {  	s3 =	rddreg [dreg:$0x2];
	[bflag:$0x3] =	sbarrier.arrive $0xFFFF;
	s2 =	simm.s32 @!p0 $0x1C02  }
0x65: {  	[timem:s3], [sflag:s2] =	dma.local @!p0 [hbm:s0], s1  }
0x66: {  	s0 =	simm.s32 @!p0 $0x2  }
0x67: {  	_ =	swait.ge @!p0 [sflag:s0], s1  }
0x68: {  	s1 =	ssub.s32 @!p0 $0x0, s1;
	[sflag:s0] =	ssyncset.done @!p0 $0x0  }
0x69: {  	[sflag:s0] =	ssyncadd.s32 @!p0 s1  }
0x6a: {  	[bflag:$0x3] =	sbarrier.arrive $0xFFFF  }
0x6b: {  	_ =	shalt  }

// kernel: kernel.14.cloned.1.call-start
scs
__scs_entry_jumppad:
0x0: {  	(pc) =	sbr.rel $0x88, $3  }
0x1: {  	(tag) =	ssettag $0x0;
	lr =	simm.s32 $0x1  }
0x2: {  	[smem:$0x3F9A] =	sst lr;
	_ =	strace $0xD0000000  }
0x3: {  	_ = 	snop  }
0x4: {  	_ = 	snop  }
0x5: {  	_ = 	snop  }
0x6: {  	_ = 	snop  }
0x7: {  	_ = 	snop  }
__scs_overlays_trampoline_lowered:
0x8: {  	[smem:$0x3FA9] =	sst s0  }
0x9: {  	[smem:$0x3FAA] =	sst s1  }
0xa: {  	[smem:$0x3FAB] =	sst s2  }
0xb: {  	[smem:$0x3FAC] =	sst s3  }
0xc: {  	[smem:$0x3FAD] =	sst s4  }
0xd: {  	[smem:$0x3FAE] =	sst s5  }
0xe: {  	[smem:$0x3FAF] =	sst s6  }
0xf: {  	[smem:$0x3FB0] =	sst s7  }
0x10: {  	[smem:$0x3FB1] =	sst s8  }
0x11: {  	[smem:$0x3FB2] =	sst s9;
	s0 =	simm.s32 @!p0 $0x0  }
0x12: {  	s1 =	sld [smem:$0x3F98];
	s0 =	simm.s32 @p0 $0x1  }
0x13: {  	[smem:$0x3FB3] =	sst s0;
	s0 =	simm.s32 @!p1 $0x0  }
0x14: {  	s2 =	sld [smem:$0x3F97];
	s0 =	simm.s32 @p1 $0x1  }
0x15: {  	[smem:$0x3FB4] =	sst s0;
	s0 =	simm.s32 @!p2 $0x0  }
0x16: {  	s3 =	sld [smem:$0x3FDB];
	s0 =	simm.s32 @p2 $0x1  }
0x17: {  	s4 =	simm.s32 $0x1BF5;
	[smem:$0x3FB6] =	sst s0  }
0x18: {  	s0 =	sld [smem:$0x3F99];
	_ =	swait.ge [sflag:s4], $0x0  }
0x19: {  	s7 =	sld [smem:$0x3F9A]  }
0x1a: {  	s8 =	sadd.s32 $0xFFFFE003, lr  }
0x1b: {  	s9 =	sadd.s32 $0xFFFFFEF7, lr;
	s5 =	simm.s32 $0xFFFFFFFF;
	p2 =	slt.u32 s8, $0xFFFFF086  }
0x1c: {  	p1 =	slt.u32 s9, $0xF7A;
	s5 =	simm.s32 @!p2 $0x0  }
0x1d: {  	s5 =	simm.s32 @p1 $0x1;
	p0 =	seq.s32 s7, s2  }
0x1e: {  	s7 =	smul.u32 @!p0 $0xF7A, s2;
	p2 =	seq.s32 @!p0 s5, $0x0  }
0x1f: {  	s9 =	smul.u32 $0xF7A, s1;
	s8 =	simm.s32 @!p0 $0x1BF5;
	p2 =	por !p2, p0  }
0x20: {  	[sflag:s8] =	ssyncset.s32 @!p0 $0xFFFFF086;
	s6 =	sadd.s32 @!p0 s3, s7;
	s7 =	simm.s32 @!p0 $0x108  }
0x21: {  	s3 =	sadd.s32 s3, s9;
	s6 =	sadd.s32 @!p0 $0x88, s6;
	s7 =	simm.s32 @p2 $0x1082  }
0x22: {  	[simem:s7], [sflag:s8] =	dma.local @!p0 [hbm:s6], $0xF7A  }
0x23: {  	s9 =	sor.u32 $0xD0000000, s2;
	s6 =	simm.s32 $0x108;
	_ =	swait.ge @!p0 [sflag:s8], $0x0  }
0x24: {  	s3 =	sadd.s32 $0x88, s3;
	s6 =	simm.s32 @!p1 $0x1082;
	[sflag:s4] =	ssyncset.s32 $0xFFFFF086  }
0x25: {  	[simem:s6], [sflag:s4] =	dma.local [hbm:s3], $0xF7A  }
0x26: {  	[smem:$0x3F9A] =	sst s1;
	(tag) =	ssettag s2;
	_ =	strace s9  }
0x27: {  	s1 =	sld [smem:$0x3FAA]  }
0x28: {  	s2 =	sld [smem:$0x3FAB]  }
0x29: {  	s4 =	sld [smem:$0x3FAD]  }
0x2a: {  	p0 =	seq.s32 s5, $0x0;
	s5 =	sld [smem:$0x3FAE]  }
0x2b: {  	s6 =	sld [smem:$0x3FAF]  }
0x2c: {  	s7 =	sld [smem:$0x3FB0]  }
0x2d: {  	s3 =	simm.s32 $0x108;
	s8 =	sld [smem:$0x3FB1]  }
0x2e: {  	s3 =	simm.s32 @!p0 $0x1082;
	s9 =	sld [smem:$0x3FB2]  }
0x2f: {  	lr =	sadd.s32 s0, s3;
	s0 =	sld [smem:$0x3FA9]  }
0x30: {  	s3 =	sld [smem:$0x3FAC]  }
0x31: {  	[smem:$0x3FB5] =	sst s10  }
0x32: {  	s10 =	sld [smem:$0x3FB3];
	_ =	sdelay $0x3  }
0x33: {  	p0 =	seq.s32 s10, $0x1;
	s10 =	sld [smem:$0x3FB5];
	_ =	sdelay $0x3  }
0x34: {  	[smem:$0x3FB5] =	sst s10  }
0x35: {  	s10 =	sld [smem:$0x3FB4];
	_ =	sdelay $0x3  }
0x36: {  	p1 =	seq.s32 s10, $0x1;
	s10 =	sld [smem:$0x3FB5];
	_ =	sdelay $0x3  }
0x37: {  	[smem:$0x3FB5] =	sst s10  }
0x38: {  	s10 =	sld [smem:$0x3FB6]  }
0x39: {  	_ = 	snop;
	(pc) =	sbr.ind lr, $3  }
0x3a: {  	_ = 	snop  }
0x3b: {  	_ = 	snop  }
0x3c: {  	p2 =	seq.s32 s10, $0x1;
	s10 =	sld [smem:$0x3FB5]  }
0x3d: {  	_ =	shalt  }
0x3e: {  	_ =	shalt  }
0x3f: {  	_ =	shalt  }
0x40: {  	_ =	shalt  }
0x41: {  	_ =	shalt  }
0x42: {  	_ =	shalt  }
0x43: {  	_ =	shalt  }
0x44: {  	_ =	shalt  }
0x45: {  	_ =	shalt  }
0x46: {  	_ =	shalt  }
0x47: {  	_ =	shalt  }
0x48: {  	_ =	shalt  }
0x49: {  	_ =	shalt  }
0x4a: {  	_ =	shalt  }
0x4b: {  	_ =	shalt  }
0x4c: {  	_ =	shalt  }
0x4d: {  	_ =	shalt  }
0x4e: {  	_ =	shalt  }
0x4f: {  	_ =	shalt  }
0x50: {  	_ =	shalt  }
0x51: {  	_ =	shalt  }
0x52: {  	_ =	shalt  }
0x53: {  	_ =	shalt  }
0x54: {  	_ =	shalt  }
0x55: {  	_ =	shalt  }
0x56: {  	_ =	shalt  }
0x57: {  	_ =	shalt  }
0x58: {  	_ =	shalt  }
0x59: {  	_ =	shalt  }
0x5a: {  	_ =	shalt  }
0x5b: {  	_ =	shalt  }
0x5c: {  	_ =	shalt  }
0x5d: {  	_ =	shalt  }
0x5e: {  	_ =	shalt  }
0x5f: {  	_ =	shalt  }
0x60: {  	_ =	shalt  }
0x61: {  	_ =	shalt  }
0x62: {  	_ =	shalt  }
0x63: {  	_ =	shalt  }
0x64: {  	_ =	shalt  }
0x65: {  	_ =	shalt  }
0x66: {  	_ =	shalt  }
0x67: {  	_ =	shalt  }
0x68: {  	_ =	shalt  }
0x69: {  	_ =	shalt  }
0x6a: {  	_ =	shalt  }
0x6b: {  	_ =	shalt  }
0x6c: {  	_ =	shalt  }
0x6d: {  	_ =	shalt  }
0x6e: {  	_ =	shalt  }
0x6f: {  	_ =	shalt  }
0x70: {  	_ =	shalt  }
0x71: {  	_ =	shalt  }
0x72: {  	_ =	shalt  }
0x73: {  	_ =	shalt  }
0x74: {  	_ =	shalt  }
0x75: {  	_ =	shalt  }
0x76: {  	_ =	shalt  }
0x77: {  	_ =	shalt  }
0x78: {  	_ =	shalt  }
0x79: {  	_ =	shalt  }
0x7a: {  	_ =	shalt  }
0x7b: {  	_ =	shalt  }
0x7c: {  	_ =	shalt  }
0x7d: {  	_ =	shalt  }
0x7e: {  	_ =	shalt  }
0x7f: {  	_ =	shalt  }
0x80: {  	_ =	shalt  }
0x81: {  	_ =	shalt  }
0x82: {  	_ =	shalt  }
0x83: {  	_ =	shalt  }
0x84: {  	_ =	shalt  }
0x85: {  	_ =	shalt  }
0x86: {  	_ =	shalt  }
0x87: {  	_ =	shalt  }
.Lfunc_end0:
.L_simem_size_0:
called_computation.2_lowered:
.L_overlay_start_0:
0x88: {  	s2 =	sld [smem:$0x3FD9]  }
0x89: {  	s3 =	sld [smem:$0x3FFE];
	_ =	sdelay $0x1  }
0x8a: {  	s1 =	srdreg.scid  }
0x8b: {  	s0 =	sand.u32 $0x1, s1  }
0x8c: {  	s14 =	sshll.u32 s0, $0xA;
	s2 =	sadd.s32 s3, s2  }
0x8d: {  	s2 =	sadd.s32 s2, s14  }
0x8e: {  	[smem:$0x3FC1] =	sst s2  }
0x8f: {  	_ = 	snop  }
0x90: {  	s2 =	sld [smem:$0x3FD0];
	_ =	sdelay $0x2  }
0x91: {  	s15 =	simm.s32 $0xA;
	s4 =	simm.s32 $0x10  }
0x92: {  	[smem:s4], [sflag:s15] =	dma.local [hbm:s2], $0x1  }
0x93: {  	_ =	swait.eq [sflag:s15], $0x1  }
0x94: {  	[sflag:s15] =	ssyncset.done $0x0  }
0x95: {  	[sflag:s15] =	ssyncadd.s32 $0xFFFFFFFF  }
0x96: {  	s16 =	sld [smem:$0x11];
	(tm) =	ssettm $0x1  }
0x97: {  	s17 =	sld [smem:$0x3FFB];
	_ =	sdelay $0x3  }
0x98: {  	_ =	strace s17  }
0x99: {  	s3 =	sld [smem:$0x3FFC];
	_ =	sdelay $0x3  }
0x9a: {  	_ =	strace s3  }
0x9b: {  	s3 =	sld [smem:$0x3FFD];
	_ =	sdelay $0x3  }
0x9c: {  	_ =	strace s3  }
0x9d: {  	_ =	strace $0x8FFFFFFF  }
0x9e: {  	s18 =	sld [smem:$0x3FDB];
	_ =	sdelay $0x1  }
0x9f: {  	s19 =	simm.s32 $_scs_section_size  }
0xa0: {  	s5 =	simm.s32 $_size__tile_overlayer_lowered;
	s6 =	simm.s32 $_tile_overlayer_lowered  }
0xa1: {  	s22 =	simm.s32 $0x1BFF;
	s21 =	sshll.u32 s6, $0x1;
	s3 =	sadd.s32 s19, s18  }
0xa2: {  	s7 =	simm.s32 $0x0;
	s20 =	sshll.u32 s5, $0x1;
	s5 =	sadd.s32 s21, s3  }
0xa3: {  	[timem:s7], [sflag:s22] =	dma.local [hbm:s5], s20  }
0xa4: {  	_ =	swait.ge [sflag:s22], s20  }
0xa5: {  	s4 =	ssub.s32 $0x0, s20;
	[sflag:s22] =	ssyncset.done $0x0  }
0xa6: {  	[sflag:s22] =	ssyncadd.s32 s4;
	_ =	sdelay $0x1  }
0xa7: {  	s23 =	simm.s32 $0x1B8B  }
0xa8: {  	_ =	swait.ge [sflag:s23], $0x1  }
0xa9: {  	[sflag:s23] =	ssyncset.done $0x0  }
0xaa: {  	s25 =	simm.s32 $0x1B8E;
	s24 =	sld [smem:$0x3FFE];
	[sflag:s23] =	ssyncadd.s32 $0xFFFFFFFF  }
0xab: {  	s26 =	simm.s32 $execute0_lowered;
	[smem:$0x3FD2] =	sst s25  }
0xac: {  	s5 =	sshll.u32 s26, $0x1;
	_ =	strace $0x8000004C;
	[dreg:$0x1] =	wrdreg $0xFFFFFFFF  }
0xad: {  	s28 =	simm.s32 $_size_execute0_lowered;
	s3 =	sadd.s32 s3, s5;
	[dreg:$0x0] =	wrdreg $0x0  }
0xae: {  	s5 =	sshll.u32 s28, $0x1;
	[dreg:$0x2] =	wrdreg s3  }
0xaf: {  	[dreg:$0x3] =	wrdreg s5  }
0xb0: {  	[dreg:$0x4] =	wrdreg $0xC0  }
0xb1: {  	_ =	task [dreg:s7], $0x5FFFF  }
0xb2: {  	[dreg:$0x1] =	wrdreg $0xFFFFFFFF  }
0xb3: {  	[dreg:$0x0] =	wrdreg $0x60  }
0xb4: {  	[dreg:$0x2] =	wrdreg s16  }
0xb5: {  	[dreg:$0x3] =	wrdreg s24  }
0xb6: {  	[dreg:$0x4] =	wrdreg $0x90000  }
0xb7: {  	[dreg:$0x5] =	wrdreg $0x9  }
0xb8: {  	_ =	task.clear_ibuf [dreg:s7], $0x6FFFF;
	_ =	strace $0x9000004C  }
0xb9: {  	s29 =	simm.s32 $0x9;
	_ =	strace $0x8000004E  }
0xba: {  	_ =	swait.ge [sflag:s29], $0x1  }
0xbb: {  	[sflag:s29] =	ssyncadd.s32 $0xFFFFFFFF  }
0xbc: {  	_ =	strace $0x9000004E  }
0xbd: {  	_ =	sfence  }
0xbe: {  	s30 =	sld [smem:$0x0];
	_ =	sdelay $0x2  }
0xbf: {  	s31 =	sshll.u32 s1, $0xD;
	s1 =	sshrl.u32 s1, $0x2  }
0xc0: {  	s3 =	sand.u32 $0x4000, s31;
	s1 =	sadd.s32 s1, s30  }
0xc1: {  	s0 =	sor.u32 s3, s0;
	s1 =	sshll.u32 s1, $0x11  }
0xc2: {  	s0 =	sor.u32 s1, s0  }
0xc3: {  	s0 =	sadd.s32 $0x8F2B, s0  }
0xc4: {  	[sflag:s0] =	ssyncadd.remote.s32 $0x1  }
0xc5: {  	_ =	sfence.sel $0xFFFF  }
0xc6: {  	[dreg:$0x0] =	wrdreg $0xFFFFFFFF;
	(pc) =	sbr.abs _section_cstart, $3  }
0xc7: {  	[dreg:$0x1] =	wrdreg $0xFFFFFFFF  }
0xc8: {  	_ =	task.clear_ibuf [dreg:s7], $0x2FFFF;
	_ =	strace $0x9FFFFFFF  }
0xc9: {  	(tm) =	ssettm $0x7FFFFFFF  }
tec
execute0_lowered:
.L_overlay_start_1:
0x0: {  	(tag) =	ssettag $0x1  }
0x1: {  	s2 =	rddreg [dreg:$0x0]  }
0x2: {  	s6 =	rddreg [dreg:$0x1]  }
0x3: {  	s0 =	srdreg.scid;
	s3 =	rddreg [dreg:$0x2];
	s4 =	simm.s32 $0x0  }
0x4: {  	s14 =	simm.s32 $0x5000;
	s15 =	simm.s32 $0x2;
	s5 =	sand.u32 $0x1, s0  }
0x5: {  	s16 =	simm.s32 $0x2800;
	s0 =	stileid.u32;
	s8 =	smul.u32 $0x140000, s5  }
0x6: {  	s17 =	simm.s32 $0x80;
	s18 =	simm.s32 $0x1;
	s9 =	smul.u32 $0x14000, s0  }
0x7: {  	[smem:$0x7FF] =	sst s4;
	s1 =	sshll.u32 s5, $0x4;
	s10 =	smul.u32 $0x50000, s0  }
0x8: {  	s29 =	ssub.s32 $0x2, s5;
	s19 =	sshll.u32 s0, $0x6;
	s1 =	sor.u32 s0, s1  }
0x9: {  	s31 =	sshrl.u32 s29, $0x1;
	s19 =	sor.u32 $0x1C02, s19;
	s7 =	smul.u32 $0x500, s1  }
0xa: {  	s1 =	rddreg [dreg:$0x3];
	_ =	strace $0x8000004D;
	s30 =	sshrl.u32 s10, $0x2  }
0xb: {  	s28 =	sadd.s32 s9, s8;
	s13 =	ssub.s32 s29, s31;
	s5 =	sadd.s32 s30, s3  }
0xc: {  	s13 =	smax.u32 s13, $0x1;
	s11 =	sadd.s32 s7, s6;
	s7 =	sshrl.u32 s28, $0x3  }
0xd: {  	s8 =	sadd.s32 $0xC000, s5;
	s9 =	sadd.s32 $0x10000, s5;
	s20 =	sshrl.u32 s5, $0x3  }
0xe: {  	s12 =	sadd.s32 s7, s6;
	s6 =	sadd.s32 $0x4000, s5;
	s7 =	sadd.s32 $0x8000, s5  }
0xf: {  	v0 =	vimm.f32 $0.0e+00;
	s10 =	sadd.s32 $0xDE00, s11;
	s11 =	sadd.s32 $0x3E00, s11;
	s12 =	sadd.s32 $0x3F000, s12  }
.LBB2_1:
0x10: {  	s21 =	simm.s32 $0x0;
	s22 =	simm.s32 $0x200  }
.LBB2_2:
0x11: {  	p0 =	sne.s32 s22, $0xFE00;
	[tilespmem:s21+$0x5070] =	vst v0  }
0x12: {  	[tilespmem:s21+$0x5000] =	vst v0  }
0x13: {  	[tilespmem:s21+$0x5010] =	vst v0  }
.Ltmp0:
0x14: {  	[tilespmem:s21+$0x5020] =	vst v0;
	(pc) =	sbr.rel @p0 .LBB2_2-.Ltmp0, $4  }
0x15: {  	[tilespmem:s21+$0x5030] =	vst v0  }
0x16: {  	[tilespmem:s21+$0x5040] =	vst v0  }
0x17: {  	[tilespmem:s21+$0x5050] =	vst v0  }
0x18: {  	[tilespmem:s21+$0x5060] =	vst v0;
	s21 =	sshra.s32 s22, $0x2;
	s22 =	sadd.s32 $0x200, s22  }
0x19: {  	[tilespmem:s21+$0x5070] =	vst v0  }
0x1a: {  	[tilespmem:s21+$0x5000] =	vst v0  }
0x1b: {  	[tilespmem:s21+$0x5010] =	vst v0  }
0x1c: {  	[tilespmem:s21+$0x5020] =	vst v0  }
0x1d: {  	[tilespmem:s21+$0x5030] =	vst v0  }
0x1e: {  	[tilespmem:s21+$0x5040] =	vst v0  }
0x1f: {  	[tilespmem:s21+$0x5050] =	vst v0  }
0x20: {  	[tilespmem:s21+$0x5060] =	vst v0  }
0x21: {  	[spmem:s5] =	stream.linear.scatter [tilespmem:s14], [sflag:$0x2], $0x4000, $0x38;
	[tilespmem:$0x1D000] =	vst v63  }
0x22: {  	_ =	swait.ge [sflag:s15], $0x4000  }
0x23: {  	[sflag:s15] =	ssyncset.done $0x0  }
0x24: {  	[sflag:s15] =	ssyncadd.s32 $0xFFFFC000  }
0x25: {  	[spmem:s6] =	stream.linear.scatter [tilespmem:s14], [sflag:$0x2], $0x4000, $0x38;
	[tilespmem:$0x1D000] =	vst v63  }
0x26: {  	_ =	swait.ge [sflag:s15], $0x4000  }
0x27: {  	[sflag:s15] =	ssyncset.done $0x0  }
0x28: {  	[sflag:s15] =	ssyncadd.s32 $0xFFFFC000  }
0x29: {  	[spmem:s7] =	stream.linear.scatter [tilespmem:s14], [sflag:$0x2], $0x4000, $0x38;
	[tilespmem:$0x1D000] =	vst v63  }
0x2a: {  	_ =	swait.ge [sflag:s15], $0x4000  }
0x2b: {  	[sflag:s15] =	ssyncset.done $0x0  }
0x2c: {  	[sflag:s15] =	ssyncadd.s32 $0xFFFFC000  }
0x2d: {  	[spmem:s8] =	stream.linear.scatter [tilespmem:s14], [sflag:$0x2], $0x4000, $0x38;
	[tilespmem:$0x1D000] =	vst v63  }
0x2e: {  	_ =	swait.ge [sflag:s15], $0x4000  }
0x2f: {  	[sflag:s15] =	ssyncset.done $0x0  }
0x30: {  	[sflag:s15] =	ssyncadd.s32 $0xFFFFC000  }
0x31: {  	[spmem:s9] =	stream.linear.scatter [tilespmem:s14], [sflag:$0x2], $0x4000, $0x38;
	[tilespmem:$0x1D000] =	vst v63  }
0x32: {  	_ =	swait.ge [sflag:s15], $0x4000  }
0x33: {  	[sflag:s15] =	ssyncset.done $0x0  }
0x34: {  	[sflag:s15] =	ssyncadd.s32 $0xFFFFC000  }
0x35: {  	s29 =	simm.s32 $0x0;
	[bflag:$0x0] =	sbarrier.arrive $0xFFFF  }
0x36: {  	[tilespmem:s29], [sflag:$0x2] =	stream.linear.gather [hbm4b:s10+s29], $0x2780, $0x38;
	[tilespmem:$0x1D000] =	vst v63  }
0x37: {  	_ =	swait.ge [sflag:s15], $0x2780  }
0x38: {  	[sflag:s15] =	ssyncset.done $0x0  }
0x39: {  	[sflag:s15] =	ssyncadd.s32 $0xFFFFD880  }
0x3a: {  	[tilespmem:s16], [sflag:$0x2] =	stream.linear.gather [hbm4b:s11+s29], $0x2780, $0x38;
	[tilespmem:$0x1D000] =	vst v63  }
0x3b: {  	_ =	swait.ge [sflag:s15], $0x2780  }
0x3c: {  	[sflag:s15] =	ssyncset.done $0x0  }
0x3d: {  	s30 =	simm.s32 $0x0;
	[sflag:s15] =	ssyncadd.s32 $0xFFFFD880  }
0x3e: {  	[tilespmem:s14], [sflag:$0x1] =	stream.indirect.gather [hbm4b:s2+s17], $0x80, s30, s17, $0xb8;
	[tilespmem:$0x1D000] =	vst v63  }
0x3f: {  	_ =	swait.ge [sflag:s18], $0x4000  }
0x40: {  	[sflag:s18] =	ssyncset.done $0x0  }
0x41: {  	s31 =	simm.s32 $0x2800;
	[sflag:s18] =	ssyncadd.s32 $0xFFFFC000  }
0x42: {  	[spmem:s3] =	stream.indirect.scatter.add.f32 [tilespmem:s14], [sflag:$0x2], $0x80, s31, s17, $0xb8;
	[tilespmem:$0x1D000] =	vst v63  }
0x43: {  	_ =	swait.ge [sflag:s15], $0x4000  }
0x44: {  	s21 =	simm.s32 $0x200;
	s22 =	simm.s32 $0x400;
	[sflag:s15] =	ssyncset.done $0x0  }
.LBB2_4:
0x45: {  	s23 =	sshra.s32 s21, $0x2  }
0x46: {  	[sflag:s15] =	ssyncadd.s32 $0xFFFFC000;
	s21 =	smov.u32 s22;
	s24 =	sadd.s32 $0x200, s22  }
0x47: {  	[tilespmem:s14], [sflag:$0x1] =	stream.indirect.gather [hbm4b:s2+s17], $0x80, s23, s17, $0xb8;
	[tilespmem:$0x1D000] =	vst v63  }
0x48: {  	p0 =	sne.s32 s22, $0x9C00;
	_ =	swait.ge [sflag:s18], $0x4000  }
.Ltmp1:
0x49: {  	[sflag:s18] =	ssyncset.done $0x0;
	(pc) =	sbr.rel @p0 .LBB2_4-.Ltmp1, $4  }
0x4a: {  	s22 =	sadd.s32 $0x2800, s23;
	[sflag:s18] =	ssyncadd.s32 $0xFFFFC000  }
0x4b: {  	[spmem:s3] =	stream.indirect.scatter.add.f32 [tilespmem:s14], [sflag:$0x2], $0x80, s22, s17, $0xb8;
	[tilespmem:$0x1D000] =	vst v63  }
0x4c: {  	_ =	swait.ge [sflag:s15], $0x4000  }
0x4d: {  	s22 =	smov.u32 s24;
	[sflag:s15] =	ssyncset.done $0x0  }
0x4e: {  	s21 =	sshra.s32 s21, $0x2;
	[sflag:s15] =	ssyncadd.s32 $0xFFFFC000  }
0x4f: {  	[tilespmem:s14], [sflag:$0x1] =	stream.indirect.gather [hbm4b:s2+s17], $0x80, s21, s17, $0xb8;
	[tilespmem:$0x1D000] =	vst v63  }
0x50: {  	_ =	swait.ge [sflag:s18], $0x4000  }
0x51: {  	[sflag:s18] =	ssyncset.done $0x0  }
0x52: {  	s21 =	sadd.s32 $0x2800, s21;
	[sflag:s18] =	ssyncadd.s32 $0xFFFFC000  }
0x53: {  	[spmem:s3] =	stream.indirect.scatter.add.f32 [tilespmem:s14], [sflag:$0x2], $0x80, s21, s17, $0xb8;
	[tilespmem:$0x1D000] =	vst v63  }
0x54: {  	_ =	swait.ge [sflag:s15], $0x4000  }
0x55: {  	s4 =	sadd.s32 $0x1, s4;
	[sflag:s15] =	ssyncset.done $0x0  }
0x56: {  	p0 =	sne.s32 s4, s13;
	[sflag:s15] =	ssyncadd.s32 $0xFFFFC000  }
.Ltmp2:
0x57: {  	[bflag:$0x0] =	sbarrier.arrive $0xFFFF;
	(pc) =	sbr.rel @p0 .LBB2_1-.Ltmp2, $4  }
0x58: {  	[hbm:s12], [sflag:s19] =	dma.local [spmem:s20], $0x2800  }
0x59: {  	_ =	swait.ge [sflag:s15], $0x2800  }
0x5a: {  	[sflag:s15] =	ssyncset.done $0x0  }
0x5b: {  	[sflag:s15] =	ssyncadd.s32 $0xFFFFD800  }
0x5c: {  	_ =	sfence.sel $0x180000  }
0x5d: {  	[bflag:$0x0] =	sbarrier.arrive $0xFFFF  }
0x5e: {  	p0 =	sne.s32 s0, $0x0;
	_ =	strace $0x9000004D  }
0x5f: {  	s0 =	sadd.s32 @!p0 $0x100000, s1;
	[bflag:$0x2] =	sbarrier.arrive $0xFFFF  }
0x60: {  	[sflag:s0] =	ssyncadd.tile.s32 @!p0 $0x1;
	_ =	shalt  }
.Lfunc_end2:
_tile_overlayer_lowered:
.L_overlay_start_2:
0x61: {  	(tag) =	ssettag $0x2  }
0x62: {  	s0 =	rddreg [dreg:$0x0];
	s2 =	stileid.u32  }
0x63: {  	s1 =	rddreg [dreg:$0x1];
	p0 =	sne.s32 s2, $0x0  }
0x64: {  	s3 =	rddreg [dreg:$0x2];
	[bflag:$0x3] =	sbarrier.arrive $0xFFFF;
	s2 =	simm.s32 @!p0 $0x1C02  }
0x65: {  	[timem:s3], [sflag:s2] =	dma.local @!p0 [hbm:s0], s1  }
0x66: {  	s0 =	simm.s32 @!p0 $0x2  }
0x67: {  	_ =	swait.ge @!p0 [sflag:s0], s1  }
0x68: {  	s1 =	ssub.s32 @!p0 $0x0, s1;
	[sflag:s0] =	ssyncset.done @!p0 $0x0  }
0x69: {  	[sflag:s0] =	ssyncadd.s32 @!p0 s1  }
0x6a: {  	[bflag:$0x3] =	sbarrier.arrive $0xFFFF  }
0x6b: {  	_ =	shalt  }

// kernel: kernel.8.cloned.1.call-start
scs
__scs_entry_jumppad:
0x0: {  	(pc) =	sbr.rel $0x88, $3  }
0x1: {  	(tag) =	ssettag $0x0;
	lr =	simm.s32 $0x1  }
0x2: {  	[smem:$0x3F9A] =	sst lr;
	_ =	strace $0xD0000000  }
0x3: {  	_ = 	snop  }
0x4: {  	_ = 	snop  }
0x5: {  	_ = 	snop  }
0x6: {  	_ = 	snop  }
0x7: {  	_ = 	snop  }
__scs_overlays_trampoline_lowered:
0x8: {  	[smem:$0x3FA9] =	sst s0  }
0x9: {  	[smem:$0x3FAA] =	sst s1  }
0xa: {  	[smem:$0x3FAB] =	sst s2  }
0xb: {  	[smem:$0x3FAC] =	sst s3  }
0xc: {  	[smem:$0x3FAD] =	sst s4  }
0xd: {  	[smem:$0x3FAE] =	sst s5  }
0xe: {  	[smem:$0x3FAF] =	sst s6  }
0xf: {  	[smem:$0x3FB0] =	sst s7  }
0x10: {  	[smem:$0x3FB1] =	sst s8  }
0x11: {  	[smem:$0x3FB2] =	sst s9;
	s0 =	simm.s32 @!p0 $0x0  }
0x12: {  	s1 =	sld [smem:$0x3F98];
	s0 =	simm.s32 @p0 $0x1  }
0x13: {  	[smem:$0x3FB3] =	sst s0;
	s0 =	simm.s32 @!p1 $0x0  }
0x14: {  	s2 =	sld [smem:$0x3F97];
	s0 =	simm.s32 @p1 $0x1  }
0x15: {  	[smem:$0x3FB4] =	sst s0;
	s0 =	simm.s32 @!p2 $0x0  }
0x16: {  	s3 =	sld [smem:$0x3FDB];
	s0 =	simm.s32 @p2 $0x1  }
0x17: {  	s4 =	simm.s32 $0x1BF5;
	[smem:$0x3FB6] =	sst s0  }
0x18: {  	s0 =	sld [smem:$0x3F99];
	_ =	swait.ge [sflag:s4], $0x0  }
0x19: {  	s7 =	sld [smem:$0x3F9A]  }
0x1a: {  	s8 =	sadd.s32 $0xFFFFE003, lr  }
0x1b: {  	s9 =	sadd.s32 $0xFFFFFEF7, lr;
	s5 =	simm.s32 $0xFFFFFFFF;
	p2 =	slt.u32 s8, $0xFFFFF086  }
0x1c: {  	p1 =	slt.u32 s9, $0xF7A;
	s5 =	simm.s32 @!p2 $0x0  }
0x1d: {  	s5 =	simm.s32 @p1 $0x1;
	p0 =	seq.s32 s7, s2  }
0x1e: {  	s7 =	smul.u32 @!p0 $0xF7A, s2;
	p2 =	seq.s32 @!p0 s5, $0x0  }
0x1f: {  	s9 =	smul.u32 $0xF7A, s1;
	s8 =	simm.s32 @!p0 $0x1BF5;
	p2 =	por !p2, p0  }
0x20: {  	[sflag:s8] =	ssyncset.s32 @!p0 $0xFFFFF086;
	s6 =	sadd.s32 @!p0 s3, s7;
	s7 =	simm.s32 @!p0 $0x108  }
0x21: {  	s3 =	sadd.s32 s3, s9;
	s6 =	sadd.s32 @!p0 $0x88, s6;
	s7 =	simm.s32 @p2 $0x1082  }
0x22: {  	[simem:s7], [sflag:s8] =	dma.local @!p0 [hbm:s6], $0xF7A  }
0x23: {  	s9 =	sor.u32 $0xD0000000, s2;
	s6 =	simm.s32 $0x108;
	_ =	swait.ge @!p0 [sflag:s8], $0x0  }
0x24: {  	s3 =	sadd.s32 $0x88, s3;
	s6 =	simm.s32 @!p1 $0x1082;
	[sflag:s4] =	ssyncset.s32 $0xFFFFF086  }
0x25: {  	[simem:s6], [sflag:s4] =	dma.local [hbm:s3], $0xF7A  }
0x26: {  	[smem:$0x3F9A] =	sst s1;
	(tag) =	ssettag s2;
	_ =	strace s9  }
0x27: {  	s1 =	sld [smem:$0x3FAA]  }
0x28: {  	s2 =	sld [smem:$0x3FAB]  }
0x29: {  	s4 =	sld [smem:$0x3FAD]  }
0x2a: {  	p0 =	seq.s32 s5, $0x0;
	s5 =	sld [smem:$0x3FAE]  }
0x2b: {  	s6 =	sld [smem:$0x3FAF]  }
0x2c: {  	s7 =	sld [smem:$0x3FB0]  }
0x2d: {  	s3 =	simm.s32 $0x108;
	s8 =	sld [smem:$0x3FB1]  }
0x2e: {  	s3 =	simm.s32 @!p0 $0x1082;
	s9 =	sld [smem:$0x3FB2]  }
0x2f: {  	lr =	sadd.s32 s0, s3;
	s0 =	sld [smem:$0x3FA9]  }
0x30: {  	s3 =	sld [smem:$0x3FAC]  }
0x31: {  	[smem:$0x3FB5] =	sst s10  }
0x32: {  	s10 =	sld [smem:$0x3FB3];
	_ =	sdelay $0x3  }
0x33: {  	p0 =	seq.s32 s10, $0x1;
	s10 =	sld [smem:$0x3FB5];
	_ =	sdelay $0x3  }
0x34: {  	[smem:$0x3FB5] =	sst s10  }
0x35: {  	s10 =	sld [smem:$0x3FB4];
	_ =	sdelay $0x3  }
0x36: {  	p1 =	seq.s32 s10, $0x1;
	s10 =	sld [smem:$0x3FB5];
	_ =	sdelay $0x3  }
0x37: {  	[smem:$0x3FB5] =	sst s10  }
0x38: {  	s10 =	sld [smem:$0x3FB6]  }
0x39: {  	_ = 	snop;
	(pc) =	sbr.ind lr, $3  }
0x3a: {  	_ = 	snop  }
0x3b: {  	_ = 	snop  }
0x3c: {  	p2 =	seq.s32 s10, $0x1;
	s10 =	sld [smem:$0x3FB5]  }
0x3d: {  	_ =	shalt  }
0x3e: {  	_ =	shalt  }
0x3f: {  	_ =	shalt  }
0x40: {  	_ =	shalt  }
0x41: {  	_ =	shalt  }
0x42: {  	_ =	shalt  }
0x43: {  	_ =	shalt  }
0x44: {  	_ =	shalt  }
0x45: {  	_ =	shalt  }
0x46: {  	_ =	shalt  }
0x47: {  	_ =	shalt  }
0x48: {  	_ =	shalt  }
0x49: {  	_ =	shalt  }
0x4a: {  	_ =	shalt  }
0x4b: {  	_ =	shalt  }
0x4c: {  	_ =	shalt  }
0x4d: {  	_ =	shalt  }
0x4e: {  	_ =	shalt  }
0x4f: {  	_ =	shalt  }
0x50: {  	_ =	shalt  }
0x51: {  	_ =	shalt  }
0x52: {  	_ =	shalt  }
0x53: {  	_ =	shalt  }
0x54: {  	_ =	shalt  }
0x55: {  	_ =	shalt  }
0x56: {  	_ =	shalt  }
0x57: {  	_ =	shalt  }
0x58: {  	_ =	shalt  }
0x59: {  	_ =	shalt  }
0x5a: {  	_ =	shalt  }
0x5b: {  	_ =	shalt  }
0x5c: {  	_ =	shalt  }
0x5d: {  	_ =	shalt  }
0x5e: {  	_ =	shalt  }
0x5f: {  	_ =	shalt  }
0x60: {  	_ =	shalt  }
0x61: {  	_ =	shalt  }
0x62: {  	_ =	shalt  }
0x63: {  	_ =	shalt  }
0x64: {  	_ =	shalt  }
0x65: {  	_ =	shalt  }
0x66: {  	_ =	shalt  }
0x67: {  	_ =	shalt  }
0x68: {  	_ =	shalt  }
0x69: {  	_ =	shalt  }
0x6a: {  	_ =	shalt  }
0x6b: {  	_ =	shalt  }
0x6c: {  	_ =	shalt  }
0x6d: {  	_ =	shalt  }
0x6e: {  	_ =	shalt  }
0x6f: {  	_ =	shalt  }
0x70: {  	_ =	shalt  }
0x71: {  	_ =	shalt  }
0x72: {  	_ =	shalt  }
0x73: {  	_ =	shalt  }
0x74: {  	_ =	shalt  }
0x75: {  	_ =	shalt  }
0x76: {  	_ =	shalt  }
0x77: {  	_ =	shalt  }
0x78: {  	_ =	shalt  }
0x79: {  	_ =	shalt  }
0x7a: {  	_ =	shalt  }
0x7b: {  	_ =	shalt  }
0x7c: {  	_ =	shalt  }
0x7d: {  	_ =	shalt  }
0x7e: {  	_ =	shalt  }
0x7f: {  	_ =	shalt  }
0x80: {  	_ =	shalt  }
0x81: {  	_ =	shalt  }
0x82: {  	_ =	shalt  }
0x83: {  	_ =	shalt  }
0x84: {  	_ =	shalt  }
0x85: {  	_ =	shalt  }
0x86: {  	_ =	shalt  }
0x87: {  	_ =	shalt  }
.Lfunc_end0:
.L_simem_size_0:
called_computation_lowered:
.L_overlay_start_0:
0x88: {  	s2 =	sld [smem:$0x3FD9]  }
0x89: {  	s3 =	sld [smem:$0x3FFE];
	_ =	sdelay $0x1  }
0x8a: {  	s1 =	srdreg.scid  }
0x8b: {  	s0 =	sand.u32 $0x1, s1  }
0x8c: {  	s14 =	sshll.u32 s0, $0xA;
	s2 =	sadd.s32 s3, s2  }
0x8d: {  	s2 =	sadd.s32 s2, s14  }
0x8e: {  	[smem:$0x3FC1] =	sst s2  }
0x8f: {  	_ = 	snop  }
0x90: {  	s2 =	sld [smem:$0x3FD0];
	_ =	sdelay $0x2  }
0x91: {  	s15 =	simm.s32 $0xA;
	s4 =	simm.s32 $0x10  }
0x92: {  	[smem:s4], [sflag:s15] =	dma.local [hbm:s2], $0x1  }
0x93: {  	_ =	swait.eq [sflag:s15], $0x1  }
0x94: {  	[sflag:s15] =	ssyncset.done $0x0  }
0x95: {  	[sflag:s15] =	ssyncadd.s32 $0xFFFFFFFF  }
0x96: {  	s16 =	sld [smem:$0x11];
	(tm) =	ssettm $0x1  }
0x97: {  	s17 =	sld [smem:$0x3FFB];
	_ =	sdelay $0x3  }
0x98: {  	_ =	strace s17  }
0x99: {  	s3 =	sld [smem:$0x3FFC];
	_ =	sdelay $0x3  }
0x9a: {  	_ =	strace s3  }
0x9b: {  	s3 =	sld [smem:$0x3FFD];
	_ =	sdelay $0x3  }
0x9c: {  	_ =	strace s3  }
0x9d: {  	_ =	strace $0x8FFFFFFF  }
0x9e: {  	s18 =	sld [smem:$0x3FDB];
	_ =	sdelay $0x1  }
0x9f: {  	s19 =	simm.s32 $_scs_section_size  }
0xa0: {  	s5 =	simm.s32 $_size__tile_overlayer_lowered;
	s6 =	simm.s32 $_tile_overlayer_lowered  }
0xa1: {  	s22 =	simm.s32 $0x1BFF;
	s21 =	sshll.u32 s6, $0x1;
	s3 =	sadd.s32 s19, s18  }
0xa2: {  	s7 =	simm.s32 $0x0;
	s20 =	sshll.u32 s5, $0x1;
	s5 =	sadd.s32 s21, s3  }
0xa3: {  	[timem:s7], [sflag:s22] =	dma.local [hbm:s5], s20  }
0xa4: {  	_ =	swait.ge [sflag:s22], s20  }
0xa5: {  	s4 =	ssub.s32 $0x0, s20;
	[sflag:s22] =	ssyncset.done $0x0  }
0xa6: {  	[sflag:s22] =	ssyncadd.s32 s4;
	_ =	sdelay $0x1  }
0xa7: {  	s23 =	simm.s32 $0x1B8B  }
0xa8: {  	_ =	swait.ge [sflag:s23], $0x1  }
0xa9: {  	[sflag:s23] =	ssyncset.done $0x0  }
0xaa: {  	s25 =	simm.s32 $0x1B8E;
	s24 =	sld [smem:$0x3FFE];
	[sflag:s23] =	ssyncadd.s32 $0xFFFFFFFF  }
0xab: {  	s26 =	simm.s32 $execute0_lowered;
	[smem:$0x3FD2] =	sst s25  }
0xac: {  	s5 =	sshll.u32 s26, $0x1;
	_ =	strace $0x80000046;
	[dreg:$0x1] =	wrdreg $0xFFFFFFFF  }
0xad: {  	s28 =	simm.s32 $_size_execute0_lowered;
	s3 =	sadd.s32 s3, s5;
	[dreg:$0x0] =	wrdreg $0x0  }
0xae: {  	s5 =	sshll.u32 s28, $0x1;
	[dreg:$0x2] =	wrdreg s3  }
0xaf: {  	[dreg:$0x3] =	wrdreg s5  }
0xb0: {  	[dreg:$0x4] =	wrdreg $0xC0  }
0xb1: {  	_ =	task [dreg:s7], $0x5FFFF  }
0xb2: {  	[dreg:$0x1] =	wrdreg $0xFFFFFFFF  }
0xb3: {  	[dreg:$0x0] =	wrdreg $0x60  }
0xb4: {  	[dreg:$0x2] =	wrdreg s24  }
0xb5: {  	[dreg:$0x3] =	wrdreg s16  }
0xb6: {  	[dreg:$0x4] =	wrdreg $0x2B000  }
0xb7: {  	[dreg:$0x5] =	wrdreg $0x9  }
0xb8: {  	_ =	task.clear_ibuf [dreg:s7], $0x6FFFF;
	_ =	strace $0x90000046  }
0xb9: {  	s29 =	simm.s32 $0x9;
	_ =	strace $0x80000048  }
0xba: {  	_ =	swait.ge [sflag:s29], $0x1  }
0xbb: {  	[sflag:s29] =	ssyncadd.s32 $0xFFFFFFFF  }
0xbc: {  	_ =	strace $0x90000048  }
0xbd: {  	_ =	sfence  }
0xbe: {  	s30 =	sld [smem:$0x0];
	_ =	sdelay $0x2  }
0xbf: {  	s31 =	sshll.u32 s1, $0xD;
	s1 =	sshrl.u32 s1, $0x2  }
0xc0: {  	s3 =	sand.u32 $0x4000, s31;
	s1 =	sadd.s32 s1, s30  }
0xc1: {  	s0 =	sor.u32 s3, s0;
	s1 =	sshll.u32 s1, $0x11  }
0xc2: {  	s0 =	sor.u32 s1, s0  }
0xc3: {  	s0 =	sadd.s32 $0x8F2B, s0  }
0xc4: {  	[sflag:s0] =	ssyncadd.remote.s32 $0x1  }
0xc5: {  	_ =	sfence.sel $0xFFFF  }
0xc6: {  	[dreg:$0x0] =	wrdreg $0xFFFFFFFF;
	(pc) =	sbr.abs _section_cstart, $3  }
0xc7: {  	[dreg:$0x1] =	wrdreg $0xFFFFFFFF  }
0xc8: {  	_ =	task.clear_ibuf [dreg:s7], $0x2FFFF;
	_ =	strace $0x9FFFFFFF  }
0xc9: {  	(tm) =	ssettm $0x7FFFFFFF  }
tec
execute0_lowered:
.L_overlay_start_1:
0x0: {  	(tag) =	ssettag $0x1  }
0x1: {  	s4 =	rddreg [dreg:$0x0]  }
0x2: {  	s6 =	rddreg [dreg:$0x1]  }
0x3: {  	s0 =	srdreg.scid;
	s2 =	rddreg [dreg:$0x2]  }
0x4: {  	s3 =	simm.s32 $0x0;
	s11 =	simm.s32 $0x2800;
	s14 =	simm.s32 $0x20  }
0x5: {  	s15 =	simm.s32 $0x10;
	s5 =	sand.u32 $0x1, s0;
	s0 =	stileid.u32  }
0x6: {  	s16 =	simm.s32 $0x0;
	[smem:$0x7FF] =	sst s3;
	s8 =	smul.u32 $0xA00, s0  }
0x7: {  	s1 =	sshll.u32 s5, $0x4;
	s9 =	ssub.s32 $0x2, s5;
	s10 =	smul.u32 $0x500, s0  }
0x8: {  	s5 =	sshll.u32 s5, $0x7;
	s12 =	sshll.u32 s0, $0x6;
	s7 =	sor.u32 s0, s1  }
0x9: {  	s1 =	rddreg [dreg:$0x3];
	_ =	strace $0x80000047;
	s28 =	sshrl.u32 s9, $0x1  }
0xa: {  	s12 =	sor.u32 $0x1C01, s12;
	s7 =	smul.u32 $0x500, s7;
	s9 =	ssub.s32 s9, s28  }
0xb: {  	s29 =	sshrl.u32 s8, $0x2;
	s30 =	sor.u32 s5, s10;
	s8 =	simm.s32 $0x2880  }
0xc: {  	s10 =	simm.s32 $0x80;
	s31 =	sshrl.u32 s30, $0x3;
	s7 =	sadd.s32 s7, s4  }
0xd: {  	s4 =	sadd.s32 s29, s2;
	s6 =	sadd.s32 s6, s31;
	s5 =	sadd.s32 $0x3E00, s7  }
0xe: {  	v0 =	vimm.f32 $1.000000000e+00;
	v1 =	vimm.f32 $0.0e+00;
	s7 =	smax.u32 s9, $0x1;
	s9 =	simm.s32 $0x1;
	s13 =	sshrl.u32 s4, $0x3  }
.LBB2_1:
0xf: {  	[tilespmem:$0x2800] =	vst v0  }
0x10: {  	[tilespmem:$0x2810] =	vst v0  }
0x11: {  	[tilespmem:$0x2820] =	vst v0  }
0x12: {  	[tilespmem:$0x2830] =	vst v0  }
0x13: {  	[tilespmem:$0x2840] =	vst v0  }
0x14: {  	[tilespmem:$0x2850] =	vst v0  }
0x15: {  	[tilespmem:$0x2860] =	vst v0  }
0x16: {  	[tilespmem:$0x2870] =	vst v0  }
0x17: {  	[tilespmem:$0x2880] =	vst v1  }
0x18: {  	[tilespmem:$0x2890] =	vst v1  }
0x19: {  	[tilespmem:$0x28A0] =	vst v1  }
0x1a: {  	[tilespmem:$0x28B0] =	vst v1  }
0x1b: {  	[tilespmem:$0x28C0] =	vst v1  }
0x1c: {  	[tilespmem:$0x28D0] =	vst v1  }
0x1d: {  	[tilespmem:$0x28E0] =	vst v1  }
0x1e: {  	[tilespmem:$0x28F0] =	vst v1  }
0x1f: {  	[tilespmem:$0x2900] =	vst v1  }
0x20: {  	[tilespmem:$0x2910] =	vst v1  }
0x21: {  	[tilespmem:$0x2920] =	vst v1  }
0x22: {  	[tilespmem:$0x2930] =	vst v1  }
0x23: {  	[tilespmem:$0x2940] =	vst v1  }
0x24: {  	[tilespmem:$0x2950] =	vst v1  }
0x25: {  	[tilespmem:$0x2960] =	vst v1  }
0x26: {  	[tilespmem:$0x2970] =	vst v1  }
0x27: {  	[tilespmem:$0x2980] =	vst v1  }
0x28: {  	[tilespmem:$0x2990] =	vst v1  }
0x29: {  	[tilespmem:$0x29A0] =	vst v1  }
0x2a: {  	[tilespmem:$0x29B0] =	vst v1  }
0x2b: {  	[tilespmem:$0x29C0] =	vst v1  }
0x2c: {  	[tilespmem:$0x29D0] =	vst v1  }
0x2d: {  	[tilespmem:$0x29E0] =	vst v1  }
0x2e: {  	[tilespmem:$0x29F0] =	vst v1  }
0x2f: {  	[tilespmem:$0x2A00] =	vst v1  }
0x30: {  	[tilespmem:$0x2A10] =	vst v1  }
0x31: {  	[tilespmem:$0x2A20] =	vst v1  }
0x32: {  	[tilespmem:$0x2A30] =	vst v1  }
0x33: {  	[tilespmem:$0x2A40] =	vst v1  }
0x34: {  	[tilespmem:$0x2A50] =	vst v1  }
0x35: {  	[tilespmem:$0x2A60] =	vst v1  }
0x36: {  	[tilespmem:$0x2A70] =	vst v1  }
0x37: {  	[tilespmem:$0x2A80] =	vst v1  }
0x38: {  	[tilespmem:$0x2A90] =	vst v1  }
0x39: {  	[tilespmem:$0x2AA0] =	vst v1  }
0x3a: {  	[tilespmem:$0x2AB0] =	vst v1  }
0x3b: {  	[tilespmem:$0x2AC0] =	vst v1  }
0x3c: {  	[tilespmem:$0x2AD0] =	vst v1  }
0x3d: {  	[tilespmem:$0x2AE0] =	vst v1  }
0x3e: {  	[tilespmem:$0x2AF0] =	vst v1  }
0x3f: {  	[spmem:s4] =	stream.linear.scatter [tilespmem:s8], [sflag:$0x1], $0x280, $0x38;
	[tilespmem:$0x2D80] =	vst v63  }
0x40: {  	_ =	swait.ge [sflag:s9], $0x280  }
0x41: {  	[sflag:s9] =	ssyncset.done $0x0  }
0x42: {  	[sflag:s9] =	ssyncadd.s32 $0xFFFFFD80  }
0x43: {  	[bflag:$0x0] =	sbarrier.arrive $0xFFFF  }
0x44: {  	[tilespmem:s3], [sflag:$0x1] =	stream.linear.gather [hbm4b:s5+s3], $0x2780, $0x38;
	[tilespmem:$0x2D80] =	vst v63  }
0x45: {  	_ =	swait.ge [sflag:s9], $0x2780  }
0x46: {  	[sflag:s9] =	ssyncset.done $0x0  }
0x47: {  	s17 =	simm.s32 $0x0;
	[sflag:s9] =	ssyncadd.s32 $0xFFFFD880  }
0x48: {  	[spmem:s2] =	stream.indirect.scatter.add.f32 [tilespmem:s11], [sflag:$0x1], $0x1, s17, s10, $0xb8;
	[tilespmem:$0x2D80] =	vst v63  }
0x49: {  	_ =	swait.ge [sflag:s9], $0x80  }
0x4a: {  	s17 =	simm.s32 $0x200;
	[sflag:s9] =	ssyncset.done $0x0  }
.LBB2_2:
0x4b: {  	s18 =	sshra.s32 s17, $0x2;
	[sflag:s9] =	ssyncadd.s32 $0xFFFFFF80;
	p0 =	sne.s32 s17, $0x9C00  }
0x4c: {  	[spmem:s2] =	stream.indirect.scatter.add.f32 [tilespmem:s11], [sflag:$0x1], $0x1, s18, s10, $0xb8;
	[tilespmem:$0x2D80] =	vst v63  }
.Ltmp0:
0x4d: {  	_ = 	snop;
	(pc) =	sbr.rel @p0 .LBB2_2-.Ltmp0, $4  }
0x4e: {  	_ = 	snop  }
0x4f: {  	s17 =	sadd.s32 $0x200, s17  }
0x50: {  	_ =	swait.ge [sflag:s9], $0x80  }
0x51: {  	[sflag:s9] =	ssyncset.done $0x0  }
0x52: {  	s16 =	sadd.s32 $0x1, s16  }
0x53: {  	[sflag:s9] =	ssyncadd.s32 $0xFFFFFF80;
	p0 =	sne.s32 s16, s7  }
.Ltmp1:
0x54: {  	[bflag:$0x0] =	sbarrier.arrive $0xFFFF;
	(pc) =	sbr.rel @p0 .LBB2_1-.Ltmp1, $4  }
0x55: {  	[hbm:s6@s14], [sflag:s12] =	dma.strided [spmem:s13@s15], $0x50, s9, $0x10   }
0x56: {  	_ =	swait.ge [sflag:s9], $0x50  }
0x57: {  	[sflag:s9] =	ssyncset.done $0x0  }
0x58: {  	[sflag:s9] =	ssyncadd.s32 $0xFFFFFFB0  }
0x59: {  	_ =	sfence.sel $0x180000  }
0x5a: {  	[bflag:$0x0] =	sbarrier.arrive $0xFFFF  }
0x5b: {  	p0 =	sne.s32 s0, $0x0;
	_ =	strace $0x90000047  }
0x5c: {  	s0 =	sadd.s32 @!p0 $0x100000, s1;
	[bflag:$0x2] =	sbarrier.arrive $0xFFFF  }
0x5d: {  	[sflag:s0] =	ssyncadd.tile.s32 @!p0 $0x1;
	_ =	shalt  }
.Lfunc_end2:
_tile_overlayer_lowered:
.L_overlay_start_2:
0x5e: {  	(tag) =	ssettag $0x2  }
0x5f: {  	s0 =	rddreg [dreg:$0x0];
	s2 =	stileid.u32  }
0x60: {  	s1 =	rddreg [dreg:$0x1];
	p0 =	sne.s32 s2, $0x0  }
0x61: {  	s3 =	rddreg [dreg:$0x2];
	[bflag:$0x3] =	sbarrier.arrive $0xFFFF;
	s2 =	simm.s32 @!p0 $0x1C01  }
0x62: {  	[timem:s3], [sflag:s2] =	dma.local @!p0 [hbm:s0], s1  }
0x63: {  	s0 =	simm.s32 @!p0 $0x1  }
0x64: {  	_ =	swait.ge @!p0 [sflag:s0], s1  }
0x65: {  	s1 =	ssub.s32 @!p0 $0x0, s1;
	[sflag:s0] =	ssyncset.done @!p0 $0x0  }
0x66: {  	[sflag:s0] =	ssyncadd.s32 @!p0 s1  }
0x67: {  	[bflag:$0x3] =	sbarrier.arrive $0xFFFF  }
0x68: {  	_ =	shalt  }

</sc_bundles>
